<compile_context>
chip_gen: v7x
topology: tpu7x:2x2x1
jax: 0.10.2.dev20260603
libtpu: 0.0.44.dev20260713+nightly
codegen_flags: <defaults>
</compile_context>

<pallas_src>
import jax
import jax.numpy as jnp
from jax import lax
from jax.experimental import pallas as pl
from jax.experimental.pallas import tpu as pltpu
from jax.experimental.pallas import tpu_sc as plsc

_NV = 999
_NVA = 1024
_T = 50
_TA = 56
_TP = 64
_BATCH = 1024
_NW = 32
_BPW = _BATCH // _NW


def _sc_body(in_hbm, out_hbm, buf, vals):
    wid = lax.axis_index("s") * 2 + lax.axis_index("c")

    pltpu.sync_copy(in_hbm.at[pl.ds(wid * _BPW * _TP, _BPW * _TP)], vals)

    zeros16 = jnp.zeros((16,), jnp.float32)
    ones16 = jnp.ones((16,), jnp.float32)
    iota16 = lax.iota(jnp.int32, 16)

    def _zero_row(r):
        for j in range(_NVA // 16):
            buf[r, pl.ds(j * 16, 16)] = zeros16

    pl.loop(0, _TA)(_zero_row)

    def _scatter(c, value_vec):
        for j in range(4):
            rows = iota16 + (16 * j)
            v = vals[pl.ds(c * _TP + 16 * j, 16)]
            col = jnp.maximum(v - 1, 0)
            m = (rows < _T) & (v > 0)
            plsc.store_scatter(buf, [rows, col], value_vec, mask=m)

    def _chunk(c):
        b = wid * _BPW + c
        _scatter(c, ones16)
        pltpu.sync_copy(buf, out_hbm.at[b])
        _scatter(c, zeros16)

    pl.loop(0, _BPW)(_chunk)


def kernel(inputs):
    padded = jnp.zeros((_BATCH, _TP), jnp.int32).at[:, :_T].set(inputs)
    flat = padded.reshape(_BATCH * _TP)
    mesh = plsc.VectorSubcoreMesh(core_axis_name="c", subcore_axis_name="s")
    out = pl.kernel(
        _sc_body,
        out_type=jax.ShapeDtypeStruct((_BATCH, _TA, _NVA), jnp.float32),
        mesh=mesh,
        compiler_params=pltpu.CompilerParams(
            use_tc_tiling_on_sc=True, needs_layout_passes=False
        ),
        scratch_types=[
            pltpu.VMEM((_TA, _NVA), jnp.float32),
            pltpu.VMEM((_BPW * _TP,), jnp.int32),
        ],
    )(flat)
    return out[:, :_T, :_NV]

# --- scband reference (transcript-rebuilt; emitter-appended) ---
"""Pipeline reference for scband-masked-one-hot-encoding-79834852098168 (READ-ONLY COPY).

The authoritative reference and input builder live on the scoring server;
editing this copy changes nothing except your own understanding.
"""

import jax, jax.numpy as jnp
import numpy as np

INPUT_N_LABELS = 1000

def setup_inputs(seed: int = 0) -> dict:
    key = jax.random.key(seed)
    inputs = jax.random.randint(key, (1024, 50), 0, INPUT_N_LABELS, dtype=jnp.int64 if jax.config.jax_enable_x64 else jnp.int32)
    return {"inputs": inputs}

def reference(inputs) -> jnp.ndarray:
    # tf.one_hot(inputs - 1, n_labels - 1): index -1 (i.e. original input 0,
    # the padding/mask value) produces an all-zero row, which matches
    # jax.nn.one_hot's out-of-range behavior.
    shifted = inputs - 1
    return jax.nn.one_hot(shifted, INPUT_N_LABELS - 1, dtype=jnp.float32)

if __name__ == "__main__":
    import jax
    _d = setup_inputs()
    print(jax.jit(kernel)(*tuple(_d.values())))

</pallas_src>

<mosaic_0001>
#map = affine_map<(d0, d1) -> (0)>
#map1 = affine_map<(d0, d1) -> (0, 0, 0)>
module attributes {stable_mosaic.version = 14 : i64} {
  func.func @_sc_body(%arg0: i32, %arg1: i32, %arg2: memref<65536xi32, #tpu.memory_space<hbm>>, %arg3: memref<1024x56x1024xf32, #tpu.memory_space<hbm>>, %arg4: memref<56x1024xf32, #tpu.memory_space<vmem>>, %arg5: memref<2048xi32, #tpu.memory_space<vmem>>) attributes {dimension_semantics = [#tpu.dimension_semantics<core_parallel>, #tpu.dimension_semantics<subcore_parallel>], iteration_bounds = array<i64: 2, 16>, scalar_prefetch = 0 : i64, scratch_operands = 2 : i64, tpu.core_type = #tpu.core_type<sc_vector_subcore>, window_params = [{transform_indices = #map}, {transform_indices = #map1}]} {
    %mul3A = arith.constant 2 : i32
    %mul3A_0 = arith.muli %arg1, %mul3A : i32
    %add3A = arith.addi %mul3A_0, %arg0 : i32
    %mul3A_1 = arith.constant 32 : i32
    %mul3A_2 = arith.muli %add3A, %mul3A_1 : i32
    %mul3A_3 = arith.constant 64 : i32
    %mul3A_4 = arith.muli %mul3A_2, %mul3A_3 : i32
    "tpu.region"() ({
      %run_scoped3A = tpu.sem_alloc : memref<!tpu.dma_semaphore, #tpu.memory_space<semaphore_mem>>
      %dma_start3A = tpu.memref_slice %arg2[%mul3A_4] : memref<65536xi32, #tpu.memory_space<hbm>> -> memref<2048xi32, #tpu.memory_space<hbm>>
      %dma_start3A_17 = tpu.memref_slice %arg2[%mul3A_4] : memref<65536xi32, #tpu.memory_space<hbm>> -> memref<2048xi32, #tpu.memory_space<hbm>>
      tpu.enqueue_dma source(%dma_start3A_17 : memref<2048xi32, #tpu.memory_space<hbm>>) target(%arg5 : memref<2048xi32, #tpu.memory_space<vmem>>) target_semaphore(%run_scoped3A : memref<!tpu.dma_semaphore, #tpu.memory_space<semaphore_mem>>)
      %dma_wait3A = tpu.memref_slice %arg2[%mul3A_4] : memref<65536xi32, #tpu.memory_space<hbm>> -> memref<2048xi32, #tpu.memory_space<hbm>>
      %dma_wait3A_18 = tpu.memref_slice %arg2[%mul3A_4] : memref<65536xi32, #tpu.memory_space<hbm>> -> memref<2048xi32, #tpu.memory_space<hbm>>
      tpu.wait_dma2 semaphore(%run_scoped3A : memref<!tpu.dma_semaphore, #tpu.memory_space<semaphore_mem>>) src(%dma_wait3A_18 : memref<2048xi32, #tpu.memory_space<hbm>>) dst(%arg5 : memref<2048xi32, #tpu.memory_space<vmem>>)
      tpu.yield
    }) : () -> ()
    %broadcast_in_dim3A = arith.constant 0.000000e+00 : f32
    %broadcast_in_dim3A_5 = vector.broadcast %broadcast_in_dim3A : f32 to vector<16xf32>
    %broadcast_in_dim3A_6 = arith.constant 1.000000e+00 : f32
    %broadcast_in_dim3A_7 = vector.broadcast %broadcast_in_dim3A_6 : f32 to vector<16xf32>
    %iota3A = tpu.iota {dimensions = array<i32: 0>} : vector<16xi32>
    %scan3A = arith.constant 0 : i32
    %scan3A_8 = arith.constant 56 : i32
    %scan3A_9 = arith.addi %scan3A, %scan3A_8 : i32
    %scan3A_10 = arith.constant 1 : i32
    scf.for %scan3A_17 = %scan3A to %scan3A_9 step %scan3A_10  : i32 {
      %mul3A_18 = arith.constant 1 : i32
      %mul3A_19 = arith.muli %scan3A_17, %mul3A_18 : i32
      %add3A_20 = arith.constant 0 : i32
      %add3A_21 = arith.addi %add3A_20, %mul3A_19 : i32
      %swap3A = arith.index_cast %add3A_21 : i32 to index
      %swap3A_22 = arith.constant 0 : index
      %swap3A_23 = tpu.vector_load %arg4[%swap3A, %swap3A_22] {strides = array<i32>} : memref<56x1024xf32, #tpu.memory_space<vmem>>, vector<16xf32>,
      tpu.vector_store %arg4[%swap3A, %swap3A_22], %broadcast_in_dim3A_5 {strides = array<i32>} : memref<56x1024xf32, #tpu.memory_space<vmem>>, vector<16xf32>,
      %swap3A_24 = arith.index_cast %add3A_21 : i32 to index
      %swap3A_25 = arith.constant 16 : index
      %swap3A_26 = tpu.vector_load %arg4[%swap3A_24, %swap3A_25] {strides = array<i32>} : memref<56x1024xf32, #tpu.memory_space<vmem>>, vector<16xf32>,
      tpu.vector_store %arg4[%swap3A_24, %swap3A_25], %broadcast_in_dim3A_5 {strides = array<i32>} : memref<56x1024xf32, #tpu.memory_space<vmem>>, vector<16xf32>,
      %swap3A_27 = arith.index_cast %add3A_21 : i32 to index
      %swap3A_28 = arith.constant 32 : index
      %swap3A_29 = tpu.vector_load %arg4[%swap3A_27, %swap3A_28] {strides = array<i32>} : memref<56x1024xf32, #tpu.memory_space<vmem>>, vector<16xf32>,
      tpu.vector_store %arg4[%swap3A_27, %swap3A_28], %broadcast_in_dim3A_5 {strides = array<i32>} : memref<56x1024xf32, #tpu.memory_space<vmem>>, vector<16xf32>,
      %swap3A_30 = arith.index_cast %add3A_21 : i32 to index
      %swap3A_31 = arith.constant 48 : index
      %swap3A_32 = tpu.vector_load %arg4[%swap3A_30, %swap3A_31] {strides = array<i32>} : memref<56x1024xf32, #tpu.memory_space<vmem>>, vector<16xf32>,
      tpu.vector_store %arg4[%swap3A_30, %swap3A_31], %broadcast_in_dim3A_5 {strides = array<i32>} : memref<56x1024xf32, #tpu.memory_space<vmem>>, vector<16xf32>,
      %swap3A_33 = arith.index_cast %add3A_21 : i32 to index
      %swap3A_34 = arith.constant 64 : index
      %swap3A_35 = tpu.vector_load %arg4[%swap3A_33, %swap3A_34] {strides = array<i32>} : memref<56x1024xf32, #tpu.memory_space<vmem>>, vector<16xf32>,
      tpu.vector_store %arg4[%swap3A_33, %swap3A_34], %broadcast_in_dim3A_5 {strides = array<i32>} : memref<56x1024xf32, #tpu.memory_space<vmem>>, vector<16xf32>,
      %swap3A_36 = arith.index_cast %add3A_21 : i32 to index
      %swap3A_37 = arith.constant 80 : index
      %swap3A_38 = tpu.vector_load %arg4[%swap3A_36, %swap3A_37] {strides = array<i32>} : memref<56x1024xf32, #tpu.memory_space<vmem>>, vector<16xf32>,
      tpu.vector_store %arg4[%swap3A_36, %swap3A_37], %broadcast_in_dim3A_5 {strides = array<i32>} : memref<56x1024xf32, #tpu.memory_space<vmem>>, vector<16xf32>,
      %swap3A_39 = arith.index_cast %add3A_21 : i32 to index
      %swap3A_40 = arith.constant 96 : index
      %swap3A_41 = tpu.vector_load %arg4[%swap3A_39, %swap3A_40] {strides = array<i32>} : memref<56x1024xf32, #tpu.memory_space<vmem>>, vector<16xf32>,
      tpu.vector_store %arg4[%swap3A_39, %swap3A_40], %broadcast_in_dim3A_5 {strides = array<i32>} : memref<56x1024xf32, #tpu.memory_space<vmem>>, vector<16xf32>,
      %swap3A_42 = arith.index_cast %add3A_21 : i32 to index
      %swap3A_43 = arith.constant 112 : index
      %swap3A_44 = tpu.vector_load %arg4[%swap3A_42, %swap3A_43] {strides = array<i32>} : memref<56x1024xf32, #tpu.memory_space<vmem>>, vector<16xf32>,
      tpu.vector_store %arg4[%swap3A_42, %swap3A_43], %broadcast_in_dim3A_5 {strides = array<i32>} : memref<56x1024xf32, #tpu.memory_space<vmem>>, vector<16xf32>,
      %swap3A_45 = arith.index_cast %add3A_21 : i32 to index
      %swap3A_46 = arith.constant 128 : index
      %swap3A_47 = tpu.vector_load %arg4[%swap3A_45, %swap3A_46] {strides = array<i32>} : memref<56x1024xf32, #tpu.memory_space<vmem>>, vector<16xf32>,
      tpu.vector_store %arg4[%swap3A_45, %swap3A_46], %broadcast_in_dim3A_5 {strides = array<i32>} : memref<56x1024xf32, #tpu.memory_space<vmem>>, vector<16xf32>,
      %swap3A_48 = arith.index_cast %add3A_21 : i32 to index
      %swap3A_49 = arith.constant 144 : index
      %swap3A_50 = tpu.vector_load %arg4[%swap3A_48, %swap3A_49] {strides = array<i32>} : memref<56x1024xf32, #tpu.memory_space<vmem>>, vector<16xf32>,
      tpu.vector_store %arg4[%swap3A_48, %swap3A_49], %broadcast_in_dim3A_5 {strides = array<i32>} : memref<56x1024xf32, #tpu.memory_space<vmem>>, vector<16xf32>,
      %swap3A_51 = arith.index_cast %add3A_21 : i32 to index
      %swap3A_52 = arith.constant 160 : index
      %swap3A_53 = tpu.vector_load %arg4[%swap3A_51, %swap3A_52] {strides = array<i32>} : memref<56x1024xf32, #tpu.memory_space<vmem>>, vector<16xf32>,
      tpu.vector_store %arg4[%swap3A_51, %swap3A_52], %broadcast_in_dim3A_5 {strides = array<i32>} : memref<56x1024xf32, #tpu.memory_space<vmem>>, vector<16xf32>,
      %swap3A_54 = arith.index_cast %add3A_21 : i32 to index
      %swap3A_55 = arith.constant 176 : index
      %swap3A_56 = tpu.vector_load %arg4[%swap3A_54, %swap3A_55] {strides = array<i32>} : memref<56x1024xf32, #tpu.memory_space<vmem>>, vector<16xf32>,
      tpu.vector_store %arg4[%swap3A_54, %swap3A_55], %broadcast_in_dim3A_5 {strides = array<i32>} : memref<56x1024xf32, #tpu.memory_space<vmem>>, vector<16xf32>,
      %swap3A_57 = arith.index_cast %add3A_21 : i32 to index
      %swap3A_58 = arith.constant 192 : index
      %swap3A_59 = tpu.vector_load %arg4[%swap3A_57, %swap3A_58] {strides = array<i32>} : memref<56x1024xf32, #tpu.memory_space<vmem>>, vector<16xf32>,
      tpu.vector_store %arg4[%swap3A_57, %swap3A_58], %broadcast_in_dim3A_5 {strides = array<i32>} : memref<56x1024xf32, #tpu.memory_space<vmem>>, vector<16xf32>,
      %swap3A_60 = arith.index_cast %add3A_21 : i32 to index
      %swap3A_61 = arith.constant 208 : index
      %swap3A_62 = tpu.vector_load %arg4[%swap3A_60, %swap3A_61] {strides = array<i32>} : memref<56x1024xf32, #tpu.memory_space<vmem>>, vector<16xf32>,
      tpu.vector_store %arg4[%swap3A_60, %swap3A_61], %broadcast_in_dim3A_5 {strides = array<i32>} : memref<56x1024xf32, #tpu.memory_space<vmem>>, vector<16xf32>,
      %swap3A_63 = arith.index_cast %add3A_21 : i32 to index
      %swap3A_64 = arith.constant 224 : index
      %swap3A_65 = tpu.vector_load %arg4[%swap3A_63, %swap3A_64] {strides = array<i32>} : memref<56x1024xf32, #tpu.memory_space<vmem>>, vector<16xf32>,
      tpu.vector_store %arg4[%swap3A_63, %swap3A_64], %broadcast_in_dim3A_5 {strides = array<i32>} : memref<56x1024xf32, #tpu.memory_space<vmem>>, vector<16xf32>,
      %swap3A_66 = arith.index_cast %add3A_21 : i32 to index
      %swap3A_67 = arith.constant 240 : index
      %swap3A_68 = tpu.vector_load %arg4[%swap3A_66, %swap3A_67] {strides = array<i32>} : memref<56x1024xf32, #tpu.memory_space<vmem>>, vector<16xf32>,
      tpu.vector_store %arg4[%swap3A_66, %swap3A_67], %broadcast_in_dim3A_5 {strides = array<i32>} : memref<56x1024xf32, #tpu.memory_space<vmem>>, vector<16xf32>,
      %swap3A_69 = arith.index_cast %add3A_21 : i32 to index
      %swap3A_70 = arith.constant 256 : index
      %swap3A_71 = tpu.vector_load %arg4[%swap3A_69, %swap3A_70] {strides = array<i32>} : memref<56x1024xf32, #tpu.memory_space<vmem>>, vector<16xf32>,
      tpu.vector_store %arg4[%swap3A_69, %swap3A_70], %broadcast_in_dim3A_5 {strides = array<i32>} : memref<56x1024xf32, #tpu.memory_space<vmem>>, vector<16xf32>,
      %swap3A_72 = arith.index_cast %add3A_21 : i32 to index
      %swap3A_73 = arith.constant 272 : index
      %swap3A_74 = tpu.vector_load %arg4[%swap3A_72, %swap3A_73] {strides = array<i32>} : memref<56x1024xf32, #tpu.memory_space<vmem>>, vector<16xf32>,
      tpu.vector_store %arg4[%swap3A_72, %swap3A_73], %broadcast_in_dim3A_5 {strides = array<i32>} : memref<56x1024xf32, #tpu.memory_space<vmem>>, vector<16xf32>,
      %swap3A_75 = arith.index_cast %add3A_21 : i32 to index
      %swap3A_76 = arith.constant 288 : index
      %swap3A_77 = tpu.vector_load %arg4[%swap3A_75, %swap3A_76] {strides = array<i32>} : memref<56x1024xf32, #tpu.memory_space<vmem>>, vector<16xf32>,
      tpu.vector_store %arg4[%swap3A_75, %swap3A_76], %broadcast_in_dim3A_5 {strides = array<i32>} : memref<56x1024xf32, #tpu.memory_space<vmem>>, vector<16xf32>,
      %swap3A_78 = arith.index_cast %add3A_21 : i32 to index
      %swap3A_79 = arith.constant 304 : index
      %swap3A_80 = tpu.vector_load %arg4[%swap3A_78, %swap3A_79] {strides = array<i32>} : memref<56x1024xf32, #tpu.memory_space<vmem>>, vector<16xf32>,
      tpu.vector_store %arg4[%swap3A_78, %swap3A_79], %broadcast_in_dim3A_5 {strides = array<i32>} : memref<56x1024xf32, #tpu.memory_space<vmem>>, vector<16xf32>,
      %swap3A_81 = arith.index_cast %add3A_21 : i32 to index
      %swap3A_82 = arith.constant 320 : index
      %swap3A_83 = tpu.vector_load %arg4[%swap3A_81, %swap3A_82] {strides = array<i32>} : memref<56x1024xf32, #tpu.memory_space<vmem>>, vector<16xf32>,
      tpu.vector_store %arg4[%swap3A_81, %swap3A_82], %broadcast_in_dim3A_5 {strides = array<i32>} : memref<56x1024xf32, #tpu.memory_space<vmem>>, vector<16xf32>,
      %swap3A_84 = arith.index_cast %add3A_21 : i32 to index
      %swap3A_85 = arith.constant 336 : index
      %swap3A_86 = tpu.vector_load %arg4[%swap3A_84, %swap3A_85] {strides = array<i32>} : memref<56x1024xf32, #tpu.memory_space<vmem>>, vector<16xf32>,
      tpu.vector_store %arg4[%swap3A_84, %swap3A_85], %broadcast_in_dim3A_5 {strides = array<i32>} : memref<56x1024xf32, #tpu.memory_space<vmem>>, vector<16xf32>,
      %swap3A_87 = arith.index_cast %add3A_21 : i32 to index
      %swap3A_88 = arith.constant 352 : index
      %swap3A_89 = tpu.vector_load %arg4[%swap3A_87, %swap3A_88] {strides = array<i32>} : memref<56x1024xf32, #tpu.memory_space<vmem>>, vector<16xf32>,
      tpu.vector_store %arg4[%swap3A_87, %swap3A_88], %broadcast_in_dim3A_5 {strides = array<i32>} : memref<56x1024xf32, #tpu.memory_space<vmem>>, vector<16xf32>,
      %swap3A_90 = arith.index_cast %add3A_21 : i32 to index
      %swap3A_91 = arith.constant 368 : index
      %swap3A_92 = tpu.vector_load %arg4[%swap3A_90, %swap3A_91] {strides = array<i32>} : memref<56x1024xf32, #tpu.memory_space<vmem>>, vector<16xf32>,
      tpu.vector_store %arg4[%swap3A_90, %swap3A_91], %broadcast_in_dim3A_5 {strides = array<i32>} : memref<56x1024xf32, #tpu.memory_space<vmem>>, vector<16xf32>,
      %swap3A_93 = arith.index_cast %add3A_21 : i32 to index
      %swap3A_94 = arith.constant 384 : index
      %swap3A_95 = tpu.vector_load %arg4[%swap3A_93, %swap3A_94] {strides = array<i32>} : memref<56x1024xf32, #tpu.memory_space<vmem>>, vector<16xf32>,
      tpu.vector_store %arg4[%swap3A_93, %swap3A_94], %broadcast_in_dim3A_5 {strides = array<i32>} : memref<56x1024xf32, #tpu.memory_space<vmem>>, vector<16xf32>,
      %swap3A_96 = arith.index_cast %add3A_21 : i32 to index
      %swap3A_97 = arith.constant 400 : index
      %swap3A_98 = tpu.vector_load %arg4[%swap3A_96, %swap3A_97] {strides = array<i32>} : memref<56x1024xf32, #tpu.memory_space<vmem>>, vector<16xf32>,
      tpu.vector_store %arg4[%swap3A_96, %swap3A_97], %broadcast_in_dim3A_5 {strides = array<i32>} : memref<56x1024xf32, #tpu.memory_space<vmem>>, vector<16xf32>,
      %swap3A_99 = arith.index_cast %add3A_21 : i32 to index
      %swap3A_100 = arith.constant 416 : index
      %swap3A_101 = tpu.vector_load %arg4[%swap3A_99, %swap3A_100] {strides = array<i32>} : memref<56x1024xf32, #tpu.memory_space<vmem>>, vector<16xf32>,
      tpu.vector_store %arg4[%swap3A_99, %swap3A_100], %broadcast_in_dim3A_5 {strides = array<i32>} : memref<56x1024xf32, #tpu.memory_space<vmem>>, vector<16xf32>,
      %swap3A_102 = arith.index_cast %add3A_21 : i32 to index
      %swap3A_103 = arith.constant 432 : index
      %swap3A_104 = tpu.vector_load %arg4[%swap3A_102, %swap3A_103] {strides = array<i32>} : memref<56x1024xf32, #tpu.memory_space<vmem>>, vector<16xf32>,
      tpu.vector_store %arg4[%swap3A_102, %swap3A_103], %broadcast_in_dim3A_5 {strides = array<i32>} : memref<56x1024xf32, #tpu.memory_space<vmem>>, vector<16xf32>,
      %swap3A_105 = arith.index_cast %add3A_21 : i32 to index
      %swap3A_106 = arith.constant 448 : index
      %swap3A_107 = tpu.vector_load %arg4[%swap3A_105, %swap3A_106] {strides = array<i32>} : memref<56x1024xf32, #tpu.memory_space<vmem>>, vector<16xf32>,
      tpu.vector_store %arg4[%swap3A_105, %swap3A_106], %broadcast_in_dim3A_5 {strides = array<i32>} : memref<56x1024xf32, #tpu.memory_space<vmem>>, vector<16xf32>,
      %swap3A_108 = arith.index_cast %add3A_21 : i32 to index
      %swap3A_109 = arith.constant 464 : index
      %swap3A_110 = tpu.vector_load %arg4[%swap3A_108, %swap3A_109] {strides = array<i32>} : memref<56x1024xf32, #tpu.memory_space<vmem>>, vector<16xf32>,
      tpu.vector_store %arg4[%swap3A_108, %swap3A_109], %broadcast_in_dim3A_5 {strides = array<i32>} : memref<56x1024xf32, #tpu.memory_space<vmem>>, vector<16xf32>,
      %swap3A_111 = arith.index_cast %add3A_21 : i32 to index
      %swap3A_112 = arith.constant 480 : index
      %swap3A_113 = tpu.vector_load %arg4[%swap3A_111, %swap3A_112] {strides = array<i32>} : memref<56x1024xf32, #tpu.memory_space<vmem>>, vector<16xf32>,
      tpu.vector_store %arg4[%swap3A_111, %swap3A_112], %broadcast_in_dim3A_5 {strides = array<i32>} : memref<56x1024xf32, #tpu.memory_space<vmem>>, vector<16xf32>,
      %swap3A_114 = arith.index_cast %add3A_21 : i32 to index
      %swap3A_115 = arith.constant 496 : index
      %swap3A_116 = tpu.vector_load %arg4[%swap3A_114, %swap3A_115] {strides = array<i32>} : memref<56x1024xf32, #tpu.memory_space<vmem>>, vector<16xf32>,
      tpu.vector_store %arg4[%swap3A_114, %swap3A_115], %broadcast_in_dim3A_5 {strides = array<i32>} : memref<56x1024xf32, #tpu.memory_space<vmem>>, vector<16xf32>,
      %swap3A_117 = arith.index_cast %add3A_21 : i32 to index
      %swap3A_118 = arith.constant 512 : index
      %swap3A_119 = tpu.vector_load %arg4[%swap3A_117, %swap3A_118] {strides = array<i32>} : memref<56x1024xf32, #tpu.memory_space<vmem>>, vector<16xf32>,
      tpu.vector_store %arg4[%swap3A_117, %swap3A_118], %broadcast_in_dim3A_5 {strides = array<i32>} : memref<56x1024xf32, #tpu.memory_space<vmem>>, vector<16xf32>,
      %swap3A_120 = arith.index_cast %add3A_21 : i32 to index
      %swap3A_121 = arith.constant 528 : index
      %swap3A_122 = tpu.vector_load %arg4[%swap3A_120, %swap3A_121] {strides = array<i32>} : memref<56x1024xf32, #tpu.memory_space<vmem>>, vector<16xf32>,
      tpu.vector_store %arg4[%swap3A_120, %swap3A_121], %broadcast_in_dim3A_5 {strides = array<i32>} : memref<56x1024xf32, #tpu.memory_space<vmem>>, vector<16xf32>,
      %swap3A_123 = arith.index_cast %add3A_21 : i32 to index
      %swap3A_124 = arith.constant 544 : index
      %swap3A_125 = tpu.vector_load %arg4[%swap3A_123, %swap3A_124] {strides = array<i32>} : memref<56x1024xf32, #tpu.memory_space<vmem>>, vector<16xf32>,
      tpu.vector_store %arg4[%swap3A_123, %swap3A_124], %broadcast_in_dim3A_5 {strides = array<i32>} : memref<56x1024xf32, #tpu.memory_space<vmem>>, vector<16xf32>,
      %swap3A_126 = arith.index_cast %add3A_21 : i32 to index
      %swap3A_127 = arith.constant 560 : index
      %swap3A_128 = tpu.vector_load %arg4[%swap3A_126, %swap3A_127] {strides = array<i32>} : memref<56x1024xf32, #tpu.memory_space<vmem>>, vector<16xf32>,
      tpu.vector_store %arg4[%swap3A_126, %swap3A_127], %broadcast_in_dim3A_5 {strides = array<i32>} : memref<56x1024xf32, #tpu.memory_space<vmem>>, vector<16xf32>,
      %swap3A_129 = arith.index_cast %add3A_21 : i32 to index
      %swap3A_130 = arith.constant 576 : index
      %swap3A_131 = tpu.vector_load %arg4[%swap3A_129, %swap3A_130] {strides = array<i32>} : memref<56x1024xf32, #tpu.memory_space<vmem>>, vector<16xf32>,
      tpu.vector_store %arg4[%swap3A_129, %swap3A_130], %broadcast_in_dim3A_5 {strides = array<i32>} : memref<56x1024xf32, #tpu.memory_space<vmem>>, vector<16xf32>,
      %swap3A_132 = arith.index_cast %add3A_21 : i32 to index
      %swap3A_133 = arith.constant 592 : index
      %swap3A_134 = tpu.vector_load %arg4[%swap3A_132, %swap3A_133] {strides = array<i32>} : memref<56x1024xf32, #tpu.memory_space<vmem>>, vector<16xf32>,
      tpu.vector_store %arg4[%swap3A_132, %swap3A_133], %broadcast_in_dim3A_5 {strides = array<i32>} : memref<56x1024xf32, #tpu.memory_space<vmem>>, vector<16xf32>,
      %swap3A_135 = arith.index_cast %add3A_21 : i32 to index
      %swap3A_136 = arith.constant 608 : index
      %swap3A_137 = tpu.vector_load %arg4[%swap3A_135, %swap3A_136] {strides = array<i32>} : memref<56x1024xf32, #tpu.memory_space<vmem>>, vector<16xf32>,
      tpu.vector_store %arg4[%swap3A_135, %swap3A_136], %broadcast_in_dim3A_5 {strides = array<i32>} : memref<56x1024xf32, #tpu.memory_space<vmem>>, vector<16xf32>,
      %swap3A_138 = arith.index_cast %add3A_21 : i32 to index
      %swap3A_139 = arith.constant 624 : index
      %swap3A_140 = tpu.vector_load %arg4[%swap3A_138, %swap3A_139] {strides = array<i32>} : memref<56x1024xf32, #tpu.memory_space<vmem>>, vector<16xf32>,
      tpu.vector_store %arg4[%swap3A_138, %swap3A_139], %broadcast_in_dim3A_5 {strides = array<i32>} : memref<56x1024xf32, #tpu.memory_space<vmem>>, vector<16xf32>,
      %swap3A_141 = arith.index_cast %add3A_21 : i32 to index
      %swap3A_142 = arith.constant 640 : index
      %swap3A_143 = tpu.vector_load %arg4[%swap3A_141, %swap3A_142] {strides = array<i32>} : memref<56x1024xf32, #tpu.memory_space<vmem>>, vector<16xf32>,
      tpu.vector_store %arg4[%swap3A_141, %swap3A_142], %broadcast_in_dim3A_5 {strides = array<i32>} : memref<56x1024xf32, #tpu.memory_space<vmem>>, vector<16xf32>,
      %swap3A_144 = arith.index_cast %add3A_21 : i32 to index
      %swap3A_145 = arith.constant 656 : index
      %swap3A_146 = tpu.vector_load %arg4[%swap3A_144, %swap3A_145] {strides = array<i32>} : memref<56x1024xf32, #tpu.memory_space<vmem>>, vector<16xf32>,
      tpu.vector_store %arg4[%swap3A_144, %swap3A_145], %broadcast_in_dim3A_5 {strides = array<i32>} : memref<56x1024xf32, #tpu.memory_space<vmem>>, vector<16xf32>,
      %swap3A_147 = arith.index_cast %add3A_21 : i32 to index
      %swap3A_148 = arith.constant 672 : index
      %swap3A_149 = tpu.vector_load %arg4[%swap3A_147, %swap3A_148] {strides = array<i32>} : memref<56x1024xf32, #tpu.memory_space<vmem>>, vector<16xf32>,
      tpu.vector_store %arg4[%swap3A_147, %swap3A_148], %broadcast_in_dim3A_5 {strides = array<i32>} : memref<56x1024xf32, #tpu.memory_space<vmem>>, vector<16xf32>,
      %swap3A_150 = arith.index_cast %add3A_21 : i32 to index
      %swap3A_151 = arith.constant 688 : index
      %swap3A_152 = tpu.vector_load %arg4[%swap3A_150, %swap3A_151] {strides = array<i32>} : memref<56x1024xf32, #tpu.memory_space<vmem>>, vector<16xf32>,
      tpu.vector_store %arg4[%swap3A_150, %swap3A_151], %broadcast_in_dim3A_5 {strides = array<i32>} : memref<56x1024xf32, #tpu.memory_space<vmem>>, vector<16xf32>,
      %swap3A_153 = arith.index_cast %add3A_21 : i32 to index
      %swap3A_154 = arith.constant 704 : index
      %swap3A_155 = tpu.vector_load %arg4[%swap3A_153, %swap3A_154] {strides = array<i32>} : memref<56x1024xf32, #tpu.memory_space<vmem>>, vector<16xf32>,
      tpu.vector_store %arg4[%swap3A_153, %swap3A_154], %broadcast_in_dim3A_5 {strides = array<i32>} : memref<56x1024xf32, #tpu.memory_space<vmem>>, vector<16xf32>,
      %swap3A_156 = arith.index_cast %add3A_21 : i32 to index
      %swap3A_157 = arith.constant 720 : index
      %swap3A_158 = tpu.vector_load %arg4[%swap3A_156, %swap3A_157] {strides = array<i32>} : memref<56x1024xf32, #tpu.memory_space<vmem>>, vector<16xf32>,
      tpu.vector_store %arg4[%swap3A_156, %swap3A_157], %broadcast_in_dim3A_5 {strides = array<i32>} : memref<56x1024xf32, #tpu.memory_space<vmem>>, vector<16xf32>,
      %swap3A_159 = arith.index_cast %add3A_21 : i32 to index
      %swap3A_160 = arith.constant 736 : index
      %swap3A_161 = tpu.vector_load %arg4[%swap3A_159, %swap3A_160] {strides = array<i32>} : memref<56x1024xf32, #tpu.memory_space<vmem>>, vector<16xf32>,
      tpu.vector_store %arg4[%swap3A_159, %swap3A_160], %broadcast_in_dim3A_5 {strides = array<i32>} : memref<56x1024xf32, #tpu.memory_space<vmem>>, vector<16xf32>,
      %swap3A_162 = arith.index_cast %add3A_21 : i32 to index
      %swap3A_163 = arith.constant 752 : index
      %swap3A_164 = tpu.vector_load %arg4[%swap3A_162, %swap3A_163] {strides = array<i32>} : memref<56x1024xf32, #tpu.memory_space<vmem>>, vector<16xf32>,
      tpu.vector_store %arg4[%swap3A_162, %swap3A_163], %broadcast_in_dim3A_5 {strides = array<i32>} : memref<56x1024xf32, #tpu.memory_space<vmem>>, vector<16xf32>,
      %swap3A_165 = arith.index_cast %add3A_21 : i32 to index
      %swap3A_166 = arith.constant 768 : index
      %swap3A_167 = tpu.vector_load %arg4[%swap3A_165, %swap3A_166] {strides = array<i32>} : memref<56x1024xf32, #tpu.memory_space<vmem>>, vector<16xf32>,
      tpu.vector_store %arg4[%swap3A_165, %swap3A_166], %broadcast_in_dim3A_5 {strides = array<i32>} : memref<56x1024xf32, #tpu.memory_space<vmem>>, vector<16xf32>,
      %swap3A_168 = arith.index_cast %add3A_21 : i32 to index
      %swap3A_169 = arith.constant 784 : index
      %swap3A_170 = tpu.vector_load %arg4[%swap3A_168, %swap3A_169] {strides = array<i32>} : memref<56x1024xf32, #tpu.memory_space<vmem>>, vector<16xf32>,
      tpu.vector_store %arg4[%swap3A_168, %swap3A_169], %broadcast_in_dim3A_5 {strides = array<i32>} : memref<56x1024xf32, #tpu.memory_space<vmem>>, vector<16xf32>,
      %swap3A_171 = arith.index_cast %add3A_21 : i32 to index
      %swap3A_172 = arith.constant 800 : index
      %swap3A_173 = tpu.vector_load %arg4[%swap3A_171, %swap3A_172] {strides = array<i32>} : memref<56x1024xf32, #tpu.memory_space<vmem>>, vector<16xf32>,
      tpu.vector_store %arg4[%swap3A_171, %swap3A_172], %broadcast_in_dim3A_5 {strides = array<i32>} : memref<56x1024xf32, #tpu.memory_space<vmem>>, vector<16xf32>,
      %swap3A_174 = arith.index_cast %add3A_21 : i32 to index
      %swap3A_175 = arith.constant 816 : index
      %swap3A_176 = tpu.vector_load %arg4[%swap3A_174, %swap3A_175] {strides = array<i32>} : memref<56x1024xf32, #tpu.memory_space<vmem>>, vector<16xf32>,
      tpu.vector_store %arg4[%swap3A_174, %swap3A_175], %broadcast_in_dim3A_5 {strides = array<i32>} : memref<56x1024xf32, #tpu.memory_space<vmem>>, vector<16xf32>,
      %swap3A_177 = arith.index_cast %add3A_21 : i32 to index
      %swap3A_178 = arith.constant 832 : index
      %swap3A_179 = tpu.vector_load %arg4[%swap3A_177, %swap3A_178] {strides = array<i32>} : memref<56x1024xf32, #tpu.memory_space<vmem>>, vector<16xf32>,
      tpu.vector_store %arg4[%swap3A_177, %swap3A_178], %broadcast_in_dim3A_5 {strides = array<i32>} : memref<56x1024xf32, #tpu.memory_space<vmem>>, vector<16xf32>,
      %swap3A_180 = arith.index_cast %add3A_21 : i32 to index
      %swap3A_181 = arith.constant 848 : index
      %swap3A_182 = tpu.vector_load %arg4[%swap3A_180, %swap3A_181] {strides = array<i32>} : memref<56x1024xf32, #tpu.memory_space<vmem>>, vector<16xf32>,
      tpu.vector_store %arg4[%swap3A_180, %swap3A_181], %broadcast_in_dim3A_5 {strides = array<i32>} : memref<56x1024xf32, #tpu.memory_space<vmem>>, vector<16xf32>,
      %swap3A_183 = arith.index_cast %add3A_21 : i32 to index
      %swap3A_184 = arith.constant 864 : index
      %swap3A_185 = tpu.vector_load %arg4[%swap3A_183, %swap3A_184] {strides = array<i32>} : memref<56x1024xf32, #tpu.memory_space<vmem>>, vector<16xf32>,
      tpu.vector_store %arg4[%swap3A_183, %swap3A_184], %broadcast_in_dim3A_5 {strides = array<i32>} : memref<56x1024xf32, #tpu.memory_space<vmem>>, vector<16xf32>,
      %swap3A_186 = arith.index_cast %add3A_21 : i32 to index
      %swap3A_187 = arith.constant 880 : index
      %swap3A_188 = tpu.vector_load %arg4[%swap3A_186, %swap3A_187] {strides = array<i32>} : memref<56x1024xf32, #tpu.memory_space<vmem>>, vector<16xf32>,
      tpu.vector_store %arg4[%swap3A_186, %swap3A_187], %broadcast_in_dim3A_5 {strides = array<i32>} : memref<56x1024xf32, #tpu.memory_space<vmem>>, vector<16xf32>,
      %swap3A_189 = arith.index_cast %add3A_21 : i32 to index
      %swap3A_190 = arith.constant 896 : index
      %swap3A_191 = tpu.vector_load %arg4[%swap3A_189, %swap3A_190] {strides = array<i32>} : memref<56x1024xf32, #tpu.memory_space<vmem>>, vector<16xf32>,
      tpu.vector_store %arg4[%swap3A_189, %swap3A_190], %broadcast_in_dim3A_5 {strides = array<i32>} : memref<56x1024xf32, #tpu.memory_space<vmem>>, vector<16xf32>,
      %swap3A_192 = arith.index_cast %add3A_21 : i32 to index
      %swap3A_193 = arith.constant 912 : index
      %swap3A_194 = tpu.vector_load %arg4[%swap3A_192, %swap3A_193] {strides = array<i32>} : memref<56x1024xf32, #tpu.memory_space<vmem>>, vector<16xf32>,
      tpu.vector_store %arg4[%swap3A_192, %swap3A_193], %broadcast_in_dim3A_5 {strides = array<i32>} : memref<56x1024xf32, #tpu.memory_space<vmem>>, vector<16xf32>,
      %swap3A_195 = arith.index_cast %add3A_21 : i32 to index
      %swap3A_196 = arith.constant 928 : index
      %swap3A_197 = tpu.vector_load %arg4[%swap3A_195, %swap3A_196] {strides = array<i32>} : memref<56x1024xf32, #tpu.memory_space<vmem>>, vector<16xf32>,
      tpu.vector_store %arg4[%swap3A_195, %swap3A_196], %broadcast_in_dim3A_5 {strides = array<i32>} : memref<56x1024xf32, #tpu.memory_space<vmem>>, vector<16xf32>,
      %swap3A_198 = arith.index_cast %add3A_21 : i32 to index
      %swap3A_199 = arith.constant 944 : index
      %swap3A_200 = tpu.vector_load %arg4[%swap3A_198, %swap3A_199] {strides = array<i32>} : memref<56x1024xf32, #tpu.memory_space<vmem>>, vector<16xf32>,
      tpu.vector_store %arg4[%swap3A_198, %swap3A_199], %broadcast_in_dim3A_5 {strides = array<i32>} : memref<56x1024xf32, #tpu.memory_space<vmem>>, vector<16xf32>,
      %swap3A_201 = arith.index_cast %add3A_21 : i32 to index
      %swap3A_202 = arith.constant 960 : index
      %swap3A_203 = tpu.vector_load %arg4[%swap3A_201, %swap3A_202] {strides = array<i32>} : memref<56x1024xf32, #tpu.memory_space<vmem>>, vector<16xf32>,
      tpu.vector_store %arg4[%swap3A_201, %swap3A_202], %broadcast_in_dim3A_5 {strides = array<i32>} : memref<56x1024xf32, #tpu.memory_space<vmem>>, vector<16xf32>,
      %swap3A_204 = arith.index_cast %add3A_21 : i32 to index
      %swap3A_205 = arith.constant 976 : index
      %swap3A_206 = tpu.vector_load %arg4[%swap3A_204, %swap3A_205] {strides = array<i32>} : memref<56x1024xf32, #tpu.memory_space<vmem>>, vector<16xf32>,
      tpu.vector_store %arg4[%swap3A_204, %swap3A_205], %broadcast_in_dim3A_5 {strides = array<i32>} : memref<56x1024xf32, #tpu.memory_space<vmem>>, vector<16xf32>,
      %swap3A_207 = arith.index_cast %add3A_21 : i32 to index
      %swap3A_208 = arith.constant 992 : index
      %swap3A_209 = tpu.vector_load %arg4[%swap3A_207, %swap3A_208] {strides = array<i32>} : memref<56x1024xf32, #tpu.memory_space<vmem>>, vector<16xf32>,
      tpu.vector_store %arg4[%swap3A_207, %swap3A_208], %broadcast_in_dim3A_5 {strides = array<i32>} : memref<56x1024xf32, #tpu.memory_space<vmem>>, vector<16xf32>,
      %swap3A_210 = arith.index_cast %add3A_21 : i32 to index
      %swap3A_211 = arith.constant 1008 : index
      %swap3A_212 = tpu.vector_load %arg4[%swap3A_210, %swap3A_211] {strides = array<i32>} : memref<56x1024xf32, #tpu.memory_space<vmem>>, vector<16xf32>,
      tpu.vector_store %arg4[%swap3A_210, %swap3A_211], %broadcast_in_dim3A_5 {strides = array<i32>} : memref<56x1024xf32, #tpu.memory_space<vmem>>, vector<16xf32>,
    }
    %scan3A_11 = arith.constant 56 : i32
    %scan3A_12 = arith.constant 0 : i32
    %scan3A_13 = arith.constant 32 : i32
    %scan3A_14 = arith.addi %scan3A_12, %scan3A_13 : i32
    %scan3A_15 = arith.constant 1 : i32
    scf.for %scan3A_17 = %scan3A_12 to %scan3A_14 step %scan3A_15  : i32 {
      %mul3A_18 = arith.constant 1 : i32
      %mul3A_19 = arith.muli %scan3A_17, %mul3A_18 : i32
      %add3A_20 = arith.constant 0 : i32
      %add3A_21 = arith.addi %add3A_20, %mul3A_19 : i32
      %mul3A_22 = arith.constant 32 : i32
      %mul3A_23 = arith.muli %add3A, %mul3A_22 : i32
      %add3A_24 = arith.addi %mul3A_23, %add3A_21 : i32
      %add3A_25 = arith.constant 0 : i32
      %add3A_26 = vector.broadcast %add3A_25 : i32 to vector<16xi32>
      %add3A_27 = arith.addi %iota3A, %add3A_26 : vector<16xi32>
      %mul3A_28 = arith.constant 64 : i32
      %mul3A_29 = arith.muli %add3A_21, %mul3A_28 : i32
      %add3A_30 = arith.constant 0 : i32
      %add3A_31 = arith.addi %mul3A_29, %add3A_30 : i32
      %get3A = arith.index_cast %add3A_31 : i32 to index
      %get3A_32 = tpu.vector_load %arg5[%get3A] {strides = array<i32>} : memref<2048xi32, #tpu.memory_space<vmem>>, vector<16xi32>,
      %sub3A = arith.constant 1 : i32
      %sub3A_33 = vector.broadcast %sub3A : i32 to vector<16xi32>
      %sub3A_34 = arith.subi %get3A_32, %sub3A_33 : vector<16xi32>
      %max3A = arith.constant 0 : i32
      %max3A_35 = vector.broadcast %max3A : i32 to vector<16xi32>
      %max3A_36 = arith.maxsi %sub3A_34, %max3A_35 : vector<16xi32>
      %lt3A = arith.constant 50 : i32
      %lt3A_37 = vector.broadcast %lt3A : i32 to vector<16xi32>
      %lt3A_38 = arith.cmpi slt, %add3A_27, %lt3A_37 : vector<16xi32>
      %gt3A = arith.constant 0 : i32
      %gt3A_39 = vector.broadcast %gt3A : i32 to vector<16xi32>
      %gt3A_40 = arith.cmpi sgt, %get3A_32, %gt3A_39 : vector<16xi32>
      %and3A = arith.andi %lt3A_38, %gt3A_40 : vector<16xi1>
      tpu.vector_store_idx %arg4[%add3A_27, %max3A_36], %broadcast_in_dim3A_7 masked %and3A : memref<56x1024xf32, #tpu.memory_space<vmem>>[vector<16xi32>, vector<16xi32>], vector<16xf32>, vector<16xi1>
      %add3A_41 = arith.constant 16 : i32
      %add3A_42 = vector.broadcast %add3A_41 : i32 to vector<16xi32>
      %add3A_43 = arith.addi %iota3A, %add3A_42 : vector<16xi32>
      %mul3A_44 = arith.constant 64 : i32
      %mul3A_45 = arith.muli %add3A_21, %mul3A_44 : i32
      %add3A_46 = arith.constant 16 : i32
      %add3A_47 = arith.addi %mul3A_45, %add3A_46 : i32
      %get3A_48 = arith.index_cast %add3A_47 : i32 to index
      %get3A_49 = tpu.vector_load %arg5[%get3A_48] {strides = array<i32>} : memref<2048xi32, #tpu.memory_space<vmem>>, vector<16xi32>,
      %sub3A_50 = arith.constant 1 : i32
      %sub3A_51 = vector.broadcast %sub3A_50 : i32 to vector<16xi32>
      %sub3A_52 = arith.subi %get3A_49, %sub3A_51 : vector<16xi32>
      %max3A_53 = arith.constant 0 : i32
      %max3A_54 = vector.broadcast %max3A_53 : i32 to vector<16xi32>
      %max3A_55 = arith.maxsi %sub3A_52, %max3A_54 : vector<16xi32>
      %lt3A_56 = arith.constant 50 : i32
      %lt3A_57 = vector.broadcast %lt3A_56 : i32 to vector<16xi32>
      %lt3A_58 = arith.cmpi slt, %add3A_43, %lt3A_57 : vector<16xi32>
      %gt3A_59 = arith.constant 0 : i32
      %gt3A_60 = vector.broadcast %gt3A_59 : i32 to vector<16xi32>
      %gt3A_61 = arith.cmpi sgt, %get3A_49, %gt3A_60 : vector<16xi32>
      %and3A_62 = arith.andi %lt3A_58, %gt3A_61 : vector<16xi1>
      tpu.vector_store_idx %arg4[%add3A_43, %max3A_55], %broadcast_in_dim3A_7 masked %and3A_62 : memref<56x1024xf32, #tpu.memory_space<vmem>>[vector<16xi32>, vector<16xi32>], vector<16xf32>, vector<16xi1>
      %add3A_63 = arith.constant 32 : i32
      %add3A_64 = vector.broadcast %add3A_63 : i32 to vector<16xi32>
      %add3A_65 = arith.addi %iota3A, %add3A_64 : vector<16xi32>
      %mul3A_66 = arith.constant 64 : i32
      %mul3A_67 = arith.muli %add3A_21, %mul3A_66 : i32
      %add3A_68 = arith.constant 32 : i32
      %add3A_69 = arith.addi %mul3A_67, %add3A_68 : i32
      %get3A_70 = arith.index_cast %add3A_69 : i32 to index
      %get3A_71 = tpu.vector_load %arg5[%get3A_70] {strides = array<i32>} : memref<2048xi32, #tpu.memory_space<vmem>>, vector<16xi32>,
      %sub3A_72 = arith.constant 1 : i32
      %sub3A_73 = vector.broadcast %sub3A_72 : i32 to vector<16xi32>
      %sub3A_74 = arith.subi %get3A_71, %sub3A_73 : vector<16xi32>
      %max3A_75 = arith.constant 0 : i32
      %max3A_76 = vector.broadcast %max3A_75 : i32 to vector<16xi32>
      %max3A_77 = arith.maxsi %sub3A_74, %max3A_76 : vector<16xi32>
      %lt3A_78 = arith.constant 50 : i32
      %lt3A_79 = vector.broadcast %lt3A_78 : i32 to vector<16xi32>
      %lt3A_80 = arith.cmpi slt, %add3A_65, %lt3A_79 : vector<16xi32>
      %gt3A_81 = arith.constant 0 : i32
      %gt3A_82 = vector.broadcast %gt3A_81 : i32 to vector<16xi32>
      %gt3A_83 = arith.cmpi sgt, %get3A_71, %gt3A_82 : vector<16xi32>
      %and3A_84 = arith.andi %lt3A_80, %gt3A_83 : vector<16xi1>
      tpu.vector_store_idx %arg4[%add3A_65, %max3A_77], %broadcast_in_dim3A_7 masked %and3A_84 : memref<56x1024xf32, #tpu.memory_space<vmem>>[vector<16xi32>, vector<16xi32>], vector<16xf32>, vector<16xi1>
      %add3A_85 = arith.constant 48 : i32
      %add3A_86 = vector.broadcast %add3A_85 : i32 to vector<16xi32>
      %add3A_87 = arith.addi %iota3A, %add3A_86 : vector<16xi32>
      %mul3A_88 = arith.constant 64 : i32
      %mul3A_89 = arith.muli %add3A_21, %mul3A_88 : i32
      %add3A_90 = arith.constant 48 : i32
      %add3A_91 = arith.addi %mul3A_89, %add3A_90 : i32
      %get3A_92 = arith.index_cast %add3A_91 : i32 to index
      %get3A_93 = tpu.vector_load %arg5[%get3A_92] {strides = array<i32>} : memref<2048xi32, #tpu.memory_space<vmem>>, vector<16xi32>,
      %sub3A_94 = arith.constant 1 : i32
      %sub3A_95 = vector.broadcast %sub3A_94 : i32 to vector<16xi32>
      %sub3A_96 = arith.subi %get3A_93, %sub3A_95 : vector<16xi32>
      %max3A_97 = arith.constant 0 : i32
      %max3A_98 = vector.broadcast %max3A_97 : i32 to vector<16xi32>
      %max3A_99 = arith.maxsi %sub3A_96, %max3A_98 : vector<16xi32>
      %lt3A_100 = arith.constant 50 : i32
      %lt3A_101 = vector.broadcast %lt3A_100 : i32 to vector<16xi32>
      %lt3A_102 = arith.cmpi slt, %add3A_87, %lt3A_101 : vector<16xi32>
      %gt3A_103 = arith.constant 0 : i32
      %gt3A_104 = vector.broadcast %gt3A_103 : i32 to vector<16xi32>
      %gt3A_105 = arith.cmpi sgt, %get3A_93, %gt3A_104 : vector<16xi32>
      %and3A_106 = arith.andi %lt3A_102, %gt3A_105 : vector<16xi1>
      tpu.vector_store_idx %arg4[%add3A_87, %max3A_99], %broadcast_in_dim3A_7 masked %and3A_106 : memref<56x1024xf32, #tpu.memory_space<vmem>>[vector<16xi32>, vector<16xi32>], vector<16xf32>, vector<16xi1>
      "tpu.region"() ({
        %run_scoped3A = tpu.sem_alloc : memref<!tpu.dma_semaphore, #tpu.memory_space<semaphore_mem>>
        %dma_start3A = arith.constant 0 : i32
        %dma_start3A_195 = arith.constant 0 : i32
        %dma_start3A_196 = tpu.memref_slice %arg3[%add3A_24, %dma_start3A, %dma_start3A_195] : memref<1024x56x1024xf32, #tpu.memory_space<hbm>> -> memref<1x56x1024xf32, #tpu.memory_space<hbm>>
        %dma_start3A_197 = tpu.memref_squeeze %dma_start3A_196 : memref<1x56x1024xf32, #tpu.memory_space<hbm>> -> memref<56x1024xf32, #tpu.memory_space<hbm>>
        %dma_start3A_198 = arith.constant 0 : i32
        %dma_start3A_199 = arith.constant 0 : i32
        %dma_start3A_200 = tpu.memref_slice %arg3[%add3A_24, %dma_start3A_198, %dma_start3A_199] : memref<1024x56x1024xf32, #tpu.memory_space<hbm>> -> memref<1x56x1024xf32, #tpu.memory_space<hbm>>
        %dma_start3A_201 = tpu.memref_squeeze %dma_start3A_200 : memref<1x56x1024xf32, #tpu.memory_space<hbm>> -> memref<56x1024xf32, #tpu.memory_space<hbm>>
        tpu.enqueue_dma source(%arg4 : memref<56x1024xf32, #tpu.memory_space<vmem>>) target(%dma_start3A_201 : memref<56x1024xf32, #tpu.memory_space<hbm>>) target_semaphore(%run_scoped3A : memref<!tpu.dma_semaphore, #tpu.memory_space<semaphore_mem>>)
        %dma_wait3A = arith.constant 0 : i32
        %dma_wait3A_202 = arith.constant 0 : i32
        %dma_wait3A_203 = tpu.memref_slice %arg3[%add3A_24, %dma_wait3A, %dma_wait3A_202] : memref<1024x56x1024xf32, #tpu.memory_space<hbm>> -> memref<1x56x1024xf32, #tpu.memory_space<hbm>>
        %dma_wait3A_204 = tpu.memref_squeeze %dma_wait3A_203 : memref<1x56x1024xf32, #tpu.memory_space<hbm>> -> memref<56x1024xf32, #tpu.memory_space<hbm>>
        %dma_wait3A_205 = arith.constant 0 : i32
        %dma_wait3A_206 = arith.constant 0 : i32
        %dma_wait3A_207 = tpu.memref_slice %arg3[%add3A_24, %dma_wait3A_205, %dma_wait3A_206] : memref<1024x56x1024xf32, #tpu.memory_space<hbm>> -> memref<1x56x1024xf32, #tpu.memory_space<hbm>>
        %dma_wait3A_208 = tpu.memref_squeeze %dma_wait3A_207 : memref<1x56x1024xf32, #tpu.memory_space<hbm>> -> memref<56x1024xf32, #tpu.memory_space<hbm>>
        tpu.wait_dma2 semaphore(%run_scoped3A : memref<!tpu.dma_semaphore, #tpu.memory_space<semaphore_mem>>) src(%arg4 : memref<56x1024xf32, #tpu.memory_space<vmem>>) dst(%dma_wait3A_208 : memref<56x1024xf32, #tpu.memory_space<hbm>>)
        tpu.yield
      }) : () -> ()
      %add3A_107 = arith.constant 0 : i32
      %add3A_108 = vector.broadcast %add3A_107 : i32 to vector<16xi32>
      %add3A_109 = arith.addi %iota3A, %add3A_108 : vector<16xi32>
      %mul3A_110 = arith.constant 64 : i32
      %mul3A_111 = arith.muli %add3A_21, %mul3A_110 : i32
      %add3A_112 = arith.constant 0 : i32
      %add3A_113 = arith.addi %mul3A_111, %add3A_112 : i32
      %get3A_114 = arith.index_cast %add3A_113 : i32 to index
      %get3A_115 = tpu.vector_load %arg5[%get3A_114] {strides = array<i32>} : memref<2048xi32, #tpu.memory_space<vmem>>, vector<16xi32>,
      %sub3A_116 = arith.constant 1 : i32
      %sub3A_117 = vector.broadcast %sub3A_116 : i32 to vector<16xi32>
      %sub3A_118 = arith.subi %get3A_115, %sub3A_117 : vector<16xi32>
      %max3A_119 = arith.constant 0 : i32
      %max3A_120 = vector.broadcast %max3A_119 : i32 to vector<16xi32>
      %max3A_121 = arith.maxsi %sub3A_118, %max3A_120 : vector<16xi32>
      %lt3A_122 = arith.constant 50 : i32
      %lt3A_123 = vector.broadcast %lt3A_122 : i32 to vector<16xi32>
      %lt3A_124 = arith.cmpi slt, %add3A_109, %lt3A_123 : vector<16xi32>
      %gt3A_125 = arith.constant 0 : i32
      %gt3A_126 = vector.broadcast %gt3A_125 : i32 to vector<16xi32>
      %gt3A_127 = arith.cmpi sgt, %get3A_115, %gt3A_126 : vector<16xi32>
      %and3A_128 = arith.andi %lt3A_124, %gt3A_127 : vector<16xi1>
      tpu.vector_store_idx %arg4[%add3A_109, %max3A_121], %broadcast_in_dim3A_5 masked %and3A_128 : memref<56x1024xf32, #tpu.memory_space<vmem>>[vector<16xi32>, vector<16xi32>], vector<16xf32>, vector<16xi1>
      %add3A_129 = arith.constant 16 : i32
      %add3A_130 = vector.broadcast %add3A_129 : i32 to vector<16xi32>
      %add3A_131 = arith.addi %iota3A, %add3A_130 : vector<16xi32>
      %mul3A_132 = arith.constant 64 : i32
      %mul3A_133 = arith.muli %add3A_21, %mul3A_132 : i32
      %add3A_134 = arith.constant 16 : i32
      %add3A_135 = arith.addi %mul3A_133, %add3A_134 : i32
      %get3A_136 = arith.index_cast %add3A_135 : i32 to index
      %get3A_137 = tpu.vector_load %arg5[%get3A_136] {strides = array<i32>} : memref<2048xi32, #tpu.memory_space<vmem>>, vector<16xi32>,
      %sub3A_138 = arith.constant 1 : i32
      %sub3A_139 = vector.broadcast %sub3A_138 : i32 to vector<16xi32>
      %sub3A_140 = arith.subi %get3A_137, %sub3A_139 : vector<16xi32>
      %max3A_141 = arith.constant 0 : i32
      %max3A_142 = vector.broadcast %max3A_141 : i32 to vector<16xi32>
      %max3A_143 = arith.maxsi %sub3A_140, %max3A_142 : vector<16xi32>
      %lt3A_144 = arith.constant 50 : i32
      %lt3A_145 = vector.broadcast %lt3A_144 : i32 to vector<16xi32>
      %lt3A_146 = arith.cmpi slt, %add3A_131, %lt3A_145 : vector<16xi32>
      %gt3A_147 = arith.constant 0 : i32
      %gt3A_148 = vector.broadcast %gt3A_147 : i32 to vector<16xi32>
      %gt3A_149 = arith.cmpi sgt, %get3A_137, %gt3A_148 : vector<16xi32>
      %and3A_150 = arith.andi %lt3A_146, %gt3A_149 : vector<16xi1>
      tpu.vector_store_idx %arg4[%add3A_131, %max3A_143], %broadcast_in_dim3A_5 masked %and3A_150 : memref<56x1024xf32, #tpu.memory_space<vmem>>[vector<16xi32>, vector<16xi32>], vector<16xf32>, vector<16xi1>
      %add3A_151 = arith.constant 32 : i32
      %add3A_152 = vector.broadcast %add3A_151 : i32 to vector<16xi32>
      %add3A_153 = arith.addi %iota3A, %add3A_152 : vector<16xi32>
      %mul3A_154 = arith.constant 64 : i32
      %mul3A_155 = arith.muli %add3A_21, %mul3A_154 : i32
      %add3A_156 = arith.constant 32 : i32
      %add3A_157 = arith.addi %mul3A_155, %add3A_156 : i32
      %get3A_158 = arith.index_cast %add3A_157 : i32 to index
      %get3A_159 = tpu.vector_load %arg5[%get3A_158] {strides = array<i32>} : memref<2048xi32, #tpu.memory_space<vmem>>, vector<16xi32>,
      %sub3A_160 = arith.constant 1 : i32
      %sub3A_161 = vector.broadcast %sub3A_160 : i32 to vector<16xi32>
      %sub3A_162 = arith.subi %get3A_159, %sub3A_161 : vector<16xi32>
      %max3A_163 = arith.constant 0 : i32
      %max3A_164 = vector.broadcast %max3A_163 : i32 to vector<16xi32>
      %max3A_165 = arith.maxsi %sub3A_162, %max3A_164 : vector<16xi32>
      %lt3A_166 = arith.constant 50 : i32
      %lt3A_167 = vector.broadcast %lt3A_166 : i32 to vector<16xi32>
      %lt3A_168 = arith.cmpi slt, %add3A_153, %lt3A_167 : vector<16xi32>
      %gt3A_169 = arith.constant 0 : i32
      %gt3A_170 = vector.broadcast %gt3A_169 : i32 to vector<16xi32>
      %gt3A_171 = arith.cmpi sgt, %get3A_159, %gt3A_170 : vector<16xi32>
      %and3A_172 = arith.andi %lt3A_168, %gt3A_171 : vector<16xi1>
      tpu.vector_store_idx %arg4[%add3A_153, %max3A_165], %broadcast_in_dim3A_5 masked %and3A_172 : memref<56x1024xf32, #tpu.memory_space<vmem>>[vector<16xi32>, vector<16xi32>], vector<16xf32>, vector<16xi1>
      %add3A_173 = arith.constant 48 : i32
      %add3A_174 = vector.broadcast %add3A_173 : i32 to vector<16xi32>
      %add3A_175 = arith.addi %iota3A, %add3A_174 : vector<16xi32>
      %mul3A_176 = arith.constant 64 : i32
      %mul3A_177 = arith.muli %add3A_21, %mul3A_176 : i32
      %add3A_178 = arith.constant 48 : i32
      %add3A_179 = arith.addi %mul3A_177, %add3A_178 : i32
      %get3A_180 = arith.index_cast %add3A_179 : i32 to index
      %get3A_181 = tpu.vector_load %arg5[%get3A_180] {strides = array<i32>} : memref<2048xi32, #tpu.memory_space<vmem>>, vector<16xi32>,
      %sub3A_182 = arith.constant 1 : i32
      %sub3A_183 = vector.broadcast %sub3A_182 : i32 to vector<16xi32>
      %sub3A_184 = arith.subi %get3A_181, %sub3A_183 : vector<16xi32>
      %max3A_185 = arith.constant 0 : i32
      %max3A_186 = vector.broadcast %max3A_185 : i32 to vector<16xi32>
      %max3A_187 = arith.maxsi %sub3A_184, %max3A_186 : vector<16xi32>
      %lt3A_188 = arith.constant 50 : i32
      %lt3A_189 = vector.broadcast %lt3A_188 : i32 to vector<16xi32>
      %lt3A_190 = arith.cmpi slt, %add3A_175, %lt3A_189 : vector<16xi32>
      %gt3A_191 = arith.constant 0 : i32
      %gt3A_192 = vector.broadcast %gt3A_191 : i32 to vector<16xi32>
      %gt3A_193 = arith.cmpi sgt, %get3A_181, %gt3A_192 : vector<16xi32>
      %and3A_194 = arith.andi %lt3A_190, %gt3A_193 : vector<16xi1>
      tpu.vector_store_idx %arg4[%add3A_175, %max3A_187], %broadcast_in_dim3A_5 masked %and3A_194 : memref<56x1024xf32, #tpu.memory_space<vmem>>[vector<16xi32>, vector<16xi32>], vector<16xf32>, vector<16xi1>
    }
    %scan3A_16 = arith.constant 32 : i32
    return
  }
}

</mosaic_0001>

<sc_bundles>
// kernel: kernel.3.cloned.1.call-start
scs
__scs_entry_jumppad:
0x0: {  	(pc) =	sbr.rel $0x88, $3  }
0x1: {  	(tag) =	ssettag $0x0;
	lr =	simm.s32 $0x1  }
0x2: {  	[smem:$0x3FA0] =	sst lr;
	_ =	strace $0xD0000000  }
0x3: {  	_ = 	snop  }
0x4: {  	_ = 	snop  }
0x5: {  	_ = 	snop  }
0x6: {  	_ = 	snop  }
0x7: {  	_ = 	snop  }
__scs_overlays_trampoline_lowered:
0x8: {  	[smem:$0x3FAF] =	sst s0  }
0x9: {  	[smem:$0x3FB0] =	sst s1  }
0xa: {  	[smem:$0x3FB1] =	sst s2  }
0xb: {  	[smem:$0x3FB2] =	sst s3  }
0xc: {  	[smem:$0x3FB3] =	sst s4  }
0xd: {  	[smem:$0x3FB4] =	sst s5  }
0xe: {  	[smem:$0x3FB5] =	sst s6  }
0xf: {  	[smem:$0x3FB6] =	sst s7  }
0x10: {  	[smem:$0x3FB7] =	sst s8  }
0x11: {  	[smem:$0x3FB8] =	sst s9;
	s0 =	simm.s32 @!p0 $0x0  }
0x12: {  	s1 =	sld [smem:$0x3F9E];
	s0 =	simm.s32 @p0 $0x1  }
0x13: {  	[smem:$0x3FB9] =	sst s0;
	s0 =	simm.s32 @!p1 $0x0  }
0x14: {  	s2 =	sld [smem:$0x3F9D];
	s0 =	simm.s32 @p1 $0x1  }
0x15: {  	[smem:$0x3FBA] =	sst s0;
	s0 =	simm.s32 @!p2 $0x0  }
0x16: {  	s3 =	sld [smem:$0x3FDB];
	s0 =	simm.s32 @p2 $0x1  }
0x17: {  	s4 =	simm.s32 $0x1BF5;
	[smem:$0x3FBC] =	sst s0  }
0x18: {  	s0 =	sld [smem:$0x3F9F];
	_ =	swait.ge [sflag:s4], $0x0  }
0x19: {  	s7 =	sld [smem:$0x3FA0]  }
0x1a: {  	s8 =	sadd.s32 $0xFFFFE003, lr  }
0x1b: {  	s9 =	sadd.s32 $0xFFFFFEF7, lr;
	s5 =	simm.s32 $0xFFFFFFFF;
	p2 =	slt.u32 s8, $0xFFFFF086  }
0x1c: {  	p1 =	slt.u32 s9, $0xF7A;
	s5 =	simm.s32 @!p2 $0x0  }
0x1d: {  	s5 =	simm.s32 @p1 $0x1;
	p0 =	seq.s32 s7, s2  }
0x1e: {  	s7 =	smul.u32 @!p0 $0xF7A, s2;
	p2 =	seq.s32 @!p0 s5, $0x0  }
0x1f: {  	s9 =	smul.u32 $0xF7A, s1;
	s8 =	simm.s32 @!p0 $0x1BF5;
	p2 =	por !p2, p0  }
0x20: {  	[sflag:s8] =	ssyncset.s32 @!p0 $0xFFFFF086;
	s6 =	sadd.s32 @!p0 s3, s7;
	s7 =	simm.s32 @!p0 $0x108  }
0x21: {  	s3 =	sadd.s32 s3, s9;
	s6 =	sadd.s32 @!p0 $0x88, s6;
	s7 =	simm.s32 @p2 $0x1082  }
0x22: {  	[simem:s7], [sflag:s8] =	dma.local @!p0 [hbm:s6], $0xF7A  }
0x23: {  	s9 =	sor.u32 $0xD0000000, s2;
	s6 =	simm.s32 $0x108;
	_ =	swait.ge @!p0 [sflag:s8], $0x0  }
0x24: {  	s3 =	sadd.s32 $0x88, s3;
	s6 =	simm.s32 @!p1 $0x1082;
	[sflag:s4] =	ssyncset.s32 $0xFFFFF086  }
0x25: {  	[simem:s6], [sflag:s4] =	dma.local [hbm:s3], $0xF7A  }
0x26: {  	[smem:$0x3FA0] =	sst s1;
	(tag) =	ssettag s2;
	_ =	strace s9  }
0x27: {  	s1 =	sld [smem:$0x3FB0]  }
0x28: {  	s2 =	sld [smem:$0x3FB1]  }
0x29: {  	s4 =	sld [smem:$0x3FB3]  }
0x2a: {  	p0 =	seq.s32 s5, $0x0;
	s5 =	sld [smem:$0x3FB4]  }
0x2b: {  	s6 =	sld [smem:$0x3FB5]  }
0x2c: {  	s7 =	sld [smem:$0x3FB6]  }
0x2d: {  	s3 =	simm.s32 $0x108;
	s8 =	sld [smem:$0x3FB7]  }
0x2e: {  	s3 =	simm.s32 @!p0 $0x1082;
	s9 =	sld [smem:$0x3FB8]  }
0x2f: {  	lr =	sadd.s32 s0, s3;
	s0 =	sld [smem:$0x3FAF]  }
0x30: {  	s3 =	sld [smem:$0x3FB2]  }
0x31: {  	[smem:$0x3FBB] =	sst s10  }
0x32: {  	s10 =	sld [smem:$0x3FB9];
	_ =	sdelay $0x3  }
0x33: {  	p0 =	seq.s32 s10, $0x1;
	s10 =	sld [smem:$0x3FBB];
	_ =	sdelay $0x3  }
0x34: {  	[smem:$0x3FBB] =	sst s10  }
0x35: {  	s10 =	sld [smem:$0x3FBA];
	_ =	sdelay $0x3  }
0x36: {  	p1 =	seq.s32 s10, $0x1;
	s10 =	sld [smem:$0x3FBB];
	_ =	sdelay $0x3  }
0x37: {  	[smem:$0x3FBB] =	sst s10  }
0x38: {  	s10 =	sld [smem:$0x3FBC]  }
0x39: {  	_ = 	snop;
	(pc) =	sbr.ind lr, $3  }
0x3a: {  	_ = 	snop  }
0x3b: {  	_ = 	snop  }
0x3c: {  	p2 =	seq.s32 s10, $0x1;
	s10 =	sld [smem:$0x3FBB]  }
0x3d: {  	_ =	shalt  }
0x3e: {  	_ =	shalt  }
0x3f: {  	_ =	shalt  }
0x40: {  	_ =	shalt  }
0x41: {  	_ =	shalt  }
0x42: {  	_ =	shalt  }
0x43: {  	_ =	shalt  }
0x44: {  	_ =	shalt  }
0x45: {  	_ =	shalt  }
0x46: {  	_ =	shalt  }
0x47: {  	_ =	shalt  }
0x48: {  	_ =	shalt  }
0x49: {  	_ =	shalt  }
0x4a: {  	_ =	shalt  }
0x4b: {  	_ =	shalt  }
0x4c: {  	_ =	shalt  }
0x4d: {  	_ =	shalt  }
0x4e: {  	_ =	shalt  }
0x4f: {  	_ =	shalt  }
0x50: {  	_ =	shalt  }
0x51: {  	_ =	shalt  }
0x52: {  	_ =	shalt  }
0x53: {  	_ =	shalt  }
0x54: {  	_ =	shalt  }
0x55: {  	_ =	shalt  }
0x56: {  	_ =	shalt  }
0x57: {  	_ =	shalt  }
0x58: {  	_ =	shalt  }
0x59: {  	_ =	shalt  }
0x5a: {  	_ =	shalt  }
0x5b: {  	_ =	shalt  }
0x5c: {  	_ =	shalt  }
0x5d: {  	_ =	shalt  }
0x5e: {  	_ =	shalt  }
0x5f: {  	_ =	shalt  }
0x60: {  	_ =	shalt  }
0x61: {  	_ =	shalt  }
0x62: {  	_ =	shalt  }
0x63: {  	_ =	shalt  }
0x64: {  	_ =	shalt  }
0x65: {  	_ =	shalt  }
0x66: {  	_ =	shalt  }
0x67: {  	_ =	shalt  }
0x68: {  	_ =	shalt  }
0x69: {  	_ =	shalt  }
0x6a: {  	_ =	shalt  }
0x6b: {  	_ =	shalt  }
0x6c: {  	_ =	shalt  }
0x6d: {  	_ =	shalt  }
0x6e: {  	_ =	shalt  }
0x6f: {  	_ =	shalt  }
0x70: {  	_ =	shalt  }
0x71: {  	_ =	shalt  }
0x72: {  	_ =	shalt  }
0x73: {  	_ =	shalt  }
0x74: {  	_ =	shalt  }
0x75: {  	_ =	shalt  }
0x76: {  	_ =	shalt  }
0x77: {  	_ =	shalt  }
0x78: {  	_ =	shalt  }
0x79: {  	_ =	shalt  }
0x7a: {  	_ =	shalt  }
0x7b: {  	_ =	shalt  }
0x7c: {  	_ =	shalt  }
0x7d: {  	_ =	shalt  }
0x7e: {  	_ =	shalt  }
0x7f: {  	_ =	shalt  }
0x80: {  	_ =	shalt  }
0x81: {  	_ =	shalt  }
0x82: {  	_ =	shalt  }
0x83: {  	_ =	shalt  }
0x84: {  	_ =	shalt  }
0x85: {  	_ =	shalt  }
0x86: {  	_ =	shalt  }
0x87: {  	_ =	shalt  }
.Lfunc_end0:
.L_simem_size_0:
called_computation.1_lowered:
.L_overlay_start_0:
0x88: {  	s2 =	sld [smem:$0x3FD9]  }
0x89: {  	s3 =	sld [smem:$0x3FFE];
	_ =	sdelay $0x1  }
0x8a: {  	s1 =	srdreg.scid  }
0x8b: {  	s0 =	sand.u32 $0x1, s1  }
0x8c: {  	s17 =	sshll.u32 s0, $0xA;
	s2 =	sadd.s32 s3, s2  }
0x8d: {  	s2 =	sadd.s32 s2, s17  }
0x8e: {  	[smem:$0x3FC7] =	sst s2  }
0x8f: {  	_ = 	snop  }
0x90: {  	s2 =	sld [smem:$0x3FD0];
	(tm) =	ssettm $0x1  }
0x91: {  	s18 =	sld [smem:$0x3FFB];
	_ =	sdelay $0x3  }
0x92: {  	_ =	strace s18  }
0x93: {  	s3 =	sld [smem:$0x3FFC];
	_ =	sdelay $0x3  }
0x94: {  	_ =	strace s3  }
0x95: {  	s3 =	sld [smem:$0x3FFD];
	_ =	sdelay $0x3  }
0x96: {  	_ =	strace s3  }
0x97: {  	_ =	strace $0x8FFFFFFF  }
0x98: {  	s19 =	sld [smem:$0x3FDB];
	_ =	sdelay $0x1  }
0x99: {  	s4 =	simm.s32 $_scs_section_size  }
0x9a: {  	s5 =	simm.s32 $_size__tile_overlayer_lowered;
	s6 =	simm.s32 $_tile_overlayer_lowered  }
0x9b: {  	s22 =	simm.s32 $0x1BFF;
	s21 =	sshll.u32 s6, $0x1;
	s3 =	sadd.s32 s4, s19  }
0x9c: {  	s7 =	simm.s32 $0x0;
	s20 =	sshll.u32 s5, $0x1;
	s5 =	sadd.s32 s21, s3  }
0x9d: {  	[timem:s7], [sflag:s22] =	dma.local [hbm:s5], s20  }
0x9e: {  	_ =	swait.ge [sflag:s22], s20  }
0x9f: {  	s4 =	ssub.s32 $0x0, s20;
	[sflag:s22] =	ssyncset.done $0x0  }
0xa0: {  	[sflag:s22] =	ssyncadd.s32 s4;
	_ =	sdelay $0x1  }
0xa1: {  	s23 =	simm.s32 $0x1B8B  }
0xa2: {  	_ =	swait.ge [sflag:s23], $0x1  }
0xa3: {  	[sflag:s23] =	ssyncset.done $0x0  }
0xa4: {  	s25 =	simm.s32 $0x1B8E;
	s24 =	sld [smem:$0x3FFE];
	[sflag:s23] =	ssyncadd.s32 $0xFFFFFFFF  }
0xa5: {  	s26 =	simm.s32 $execute0_lowered;
	[smem:$0x3FD2] =	sst s25  }
0xa6: {  	s5 =	sshll.u32 s26, $0x1;
	_ =	strace $0x80000046;
	[dreg:$0x1] =	wrdreg $0xFFFFFFFF  }
0xa7: {  	s28 =	simm.s32 $_size_execute0_lowered;
	s3 =	sadd.s32 s3, s5;
	[dreg:$0x0] =	wrdreg $0x0  }
0xa8: {  	s5 =	sshll.u32 s28, $0x1;
	[dreg:$0x2] =	wrdreg s3  }
0xa9: {  	[dreg:$0x3] =	wrdreg s5  }
0xaa: {  	[dreg:$0x4] =	wrdreg $0xC0  }
0xab: {  	_ =	task [dreg:s7], $0x5FFFF  }
0xac: {  	[dreg:$0x1] =	wrdreg $0xFFFFFFFF  }
0xad: {  	[dreg:$0x0] =	wrdreg $0x60  }
0xae: {  	[dreg:$0x2] =	wrdreg s2  }
0xaf: {  	[dreg:$0x3] =	wrdreg s24  }
0xb0: {  	[dreg:$0x4] =	wrdreg $0x9  }
0xb1: {  	_ =	task.clear_ibuf [dreg:s7], $0x5FFFF;
	_ =	strace $0x90000046  }
0xb2: {  	s29 =	simm.s32 $0x9;
	_ =	strace $0x80000048  }
0xb3: {  	_ =	swait.ge [sflag:s29], $0x1  }
0xb4: {  	[sflag:s29] =	ssyncadd.s32 $0xFFFFFFFF  }
0xb5: {  	_ =	strace $0x90000048  }
0xb6: {  	_ =	sfence  }
0xb7: {  	s30 =	sld [smem:$0x0];
	_ =	sdelay $0x2  }
0xb8: {  	s31 =	sshll.u32 s1, $0xD;
	s1 =	sshrl.u32 s1, $0x2  }
0xb9: {  	s3 =	sand.u32 $0x4000, s31;
	s1 =	sadd.s32 s1, s30  }
0xba: {  	s0 =	sor.u32 s3, s0;
	s1 =	sshll.u32 s1, $0x11  }
0xbb: {  	s0 =	sor.u32 s1, s0  }
0xbc: {  	s0 =	sadd.s32 $0x8F2B, s0  }
0xbd: {  	[sflag:s0] =	ssyncadd.remote.s32 $0x1  }
0xbe: {  	_ =	sfence.sel $0xFFFF  }
0xbf: {  	[dreg:$0x0] =	wrdreg $0xFFFFFFFF;
	(pc) =	sbr.abs _section_cstart, $3  }
0xc0: {  	[dreg:$0x1] =	wrdreg $0xFFFFFFFF  }
0xc1: {  	_ =	task.clear_ibuf [dreg:s7], $0x2FFFF;
	_ =	strace $0x9FFFFFFF  }
0xc2: {  	(tm) =	ssettm $0x7FFFFFFF  }
0xc3: {  	_ =	shalt  }
tec
execute0_lowered:
.L_overlay_start_1:
0x0: {  	(tag) =	ssettag $0x1  }
0x1: {  	v0 =	vimm.s32 $0x2380  }
0x2: {  	vm14 =	vcmask $0x300;
	vm13 =	vcmask $0x704;
	vm12 =	vcmask $0xB08  }
0x3: {  	vm11 =	vcmask $0xF0C;
	vm10 =	vcmask $0x1310;
	vm9 =	vcmask $0x1714  }
0x4: {  	vm8 =	vcmask $0x1B18;
	vm7 =	vcmask $0x1F1C;
	vm6 =	vcmask $0x2320  }
0x5: {  	vm5 =	vcmask $0x2724;
	vm4 =	vcmask $0x2B28;
	vm3 =	vcmask $0x2F2C  }
0x6: {  	vm2 =	vcmask $0x3330;
	vm0 =	vcmask $0x3734;
	vm1 =	vcmask $0x3B38  }
0x7: {  	v2 =	vimm.f32 $1.000000000e+00;
	v3 =	vimm.s32 $0x6380;
	v4 =	vimm.s32 $0xA380  }
0x8: {  	v5 =	vimm.s32 $0xE380;
	v0 =	vsel vm14, $0x0, v0;
	v3 =	vsel vm14, $0x4000, v3  }
0x9: {  	v4 =	vsel vm14, $0x8000, v4;
	v5 =	vsel vm14, $0xC000, v5;
	v0 =	vsel vm13, $0x80, v0  }
0xa: {  	v3 =	vsel vm13, $0x4080, v3;
	v4 =	vsel vm13, $0x8080, v4;
	v5 =	vsel vm13, $0xC080, v5  }
0xb: {  	v0 =	vsel vm12, $0x100, v0;
	v3 =	vsel vm12, $0x4100, v3;
	v4 =	vsel vm12, $0x8100, v4  }
0xc: {  	v5 =	vsel vm12, $0xC100, v5;
	v0 =	vsel vm11, $0x180, v0;
	v3 =	vsel vm11, $0x4180, v3  }
0xd: {  	v4 =	vsel vm11, $0x8180, v4;
	v5 =	vsel vm11, $0xC180, v5;
	v0 =	vsel vm10, $0x200, v0  }
0xe: {  	v3 =	vsel vm10, $0x4200, v3;
	v4 =	vsel vm10, $0x8200, v4;
	v5 =	vsel vm10, $0xC200, v5  }
0xf: {  	v0 =	vsel vm9, $0x280, v0;
	v3 =	vsel vm9, $0x4280, v3;
	v4 =	vsel vm9, $0x8280, v4  }
0x10: {  	v5 =	vsel vm9, $0xC280, v5;
	v0 =	vsel vm8, $0x300, v0;
	v3 =	vsel vm8, $0x4300, v3  }
0x11: {  	v4 =	vsel vm8, $0x8300, v4;
	v5 =	vsel vm8, $0xC300, v5;
	v0 =	vsel vm7, $0x380, v0  }
0x12: {  	v3 =	vsel vm7, $0x4380, v3;
	v4 =	vsel vm7, $0x8380, v4;
	v5 =	vsel vm7, $0xC380, v5  }
0x13: {  	s3 =	rddreg [dreg:$0x0];
	v0 =	vsel vm6, $0x2000, v0;
	v3 =	vsel vm6, $0x6000, v3;
	v4 =	vsel vm6, $0xA000, v4  }
0x14: {  	s4 =	rddreg [dreg:$0x1];
	v5 =	vsel vm6, $0xE000, v5;
	v0 =	vsel vm5, $0x2080, v0;
	v3 =	vsel vm5, $0x6080, v3  }
0x15: {  	s0 =	rddreg [dreg:$0x2];
	s1 =	stileid.u32;
	v4 =	vsel vm5, $0xA080, v4;
	v5 =	vsel vm5, $0xE080, v5;
	v0 =	vsel vm4, $0x2100, v0  }
0x16: {  	s5 =	srdreg.scid;
	s2 =	simm.s32 $0x0;
	s6 =	smul.u32 $0x70000, s1;
	v3 =	vsel vm4, $0x6100, v3;
	v4 =	vsel vm4, $0xA100, v4;
	v5 =	vsel vm4, $0xE100, v5  }
0x17: {  	s5 =	sand.u32 $0x1, s5;
	[smem:$0x7FF] =	sst s2;
	s30 =	sshll.u32 s1, $0x9;
	v0 =	vsel vm3, $0x2180, v0;
	v3 =	vsel vm3, $0x6180, v3;
	v4 =	vsel vm3, $0xA180, v4  }
0x18: {  	s7 =	ssub.s32 $0x2, s5;
	s8 =	smul.u32 $0x38000, s5;
	s5 =	sshll.u32 s5, $0x8;
	v5 =	vsel vm3, $0xE180, v5;
	v1 =	vsel vm2, $0x2200, v0;
	v0 =	vimm.f32 $0.0e+00  }
0x19: {  	_ =	strace $0x80000047;
	s4 =	sadd.s32 s6, s4;
	s29 =	sshrl.u32 s7, $0x1;
	v3 =	vsel vm2, $0x6200, v3;
	v4 =	vsel vm2, $0xA200, v4;
	v5 =	vsel vm2, $0xE200, v5  }
0x1a: {  	s5 =	sor.u32 s5, s30;
	s6 =	ssub.s32 s7, s29;
	s31 =	sadd.s32 s8, s4;
	v1 =	vsel vm0, $0x2280, v1;
	v3 =	vsel vm0, $0x6280, v3;
	v4 =	vsel vm0, $0xA280, v4  }
0x1b: {  	s3 =	sadd.s32 s3, s5;
	s7 =	simm.s32 $0x1;
	s8 =	simm.s32 $0x0;
	v5 =	vsel vm0, $0xE280, v5;
	vm0 =	vmmov $0x3;
	v1 =	vsel vm1, $0x2300, v1  }
0x1c: {  	s4 =	smax.u32 s6, $0x1;
	s5 =	sadd.s32 $0x400, s31;
	s6 =	simm.s32 $0xE000;
	v3 =	vsel vm1, $0x6300, v3;
	v4 =	vsel vm1, $0xA300, v4;
	v5 =	vsel vm1, $0xE300, v5  }
.LBB2_1:
0x1d: {  	[tilespmem:s6], [sflag:$0x1] =	stream.linear.gather [hbm4b:s3+s2], $0x800, $0x38;
	[tilespmem:$0xE800] =	vst v63  }
0x1e: {  	_ =	swait.ge [sflag:s7], $0x800  }
0x1f: {  	s9 =	simm.s32 $0xFFFF2000;
	s10 =	simm.s32 $0x0;
	[sflag:s7] =	ssyncset.done $0x0  }
0x20: {  	s11 =	simm.s32 $0x0;
	s12 =	simm.s32 $0x0;
	[sflag:s7] =	ssyncadd.s32 $0xFFFFF800  }
.LBB2_2:
0x21: {  	s13 =	sadd.s32 $0xE000, s9  }
0x22: {  	s14 =	sand.u32 $0x380, s12;
	s13 =	sand.u32 $0xE000, s13  }
0x23: {  	s13 =	sor.u32 s14, s13  }
0x24: {  	[tilespmem:s13+$0x0] =	vst v0  }
0x25: {  	[tilespmem:s13+$0x10] =	vst v0  }
0x26: {  	[tilespmem:s13+$0x20] =	vst v0  }
0x27: {  	[tilespmem:s13+$0x30] =	vst v0  }
0x28: {  	[tilespmem:s13+$0x40] =	vst v0  }
0x29: {  	[tilespmem:s13+$0x50] =	vst v0  }
0x2a: {  	[tilespmem:s13+$0x60] =	vst v0  }
0x2b: {  	[tilespmem:s13+$0x70] =	vst v0  }
0x2c: {  	[tilespmem:s13+$0x400] =	vst v0  }
0x2d: {  	[tilespmem:s13+$0x410] =	vst v0  }
0x2e: {  	[tilespmem:s13+$0x420] =	vst v0  }
0x2f: {  	[tilespmem:s13+$0x430] =	vst v0  }
0x30: {  	[tilespmem:s13+$0x440] =	vst v0  }
0x31: {  	[tilespmem:s13+$0x450] =	vst v0  }
0x32: {  	[tilespmem:s13+$0x460] =	vst v0  }
0x33: {  	[tilespmem:s13+$0x470] =	vst v0  }
0x34: {  	[tilespmem:s13+$0x800] =	vst v0  }
0x35: {  	[tilespmem:s13+$0x810] =	vst v0  }
0x36: {  	[tilespmem:s13+$0x820] =	vst v0  }
0x37: {  	[tilespmem:s13+$0x830] =	vst v0  }
0x38: {  	[tilespmem:s13+$0x840] =	vst v0  }
0x39: {  	[tilespmem:s13+$0x850] =	vst v0  }
0x3a: {  	[tilespmem:s13+$0x860] =	vst v0  }
0x3b: {  	[tilespmem:s13+$0x870] =	vst v0  }
0x3c: {  	[tilespmem:s13+$0xC00] =	vst v0  }
0x3d: {  	[tilespmem:s13+$0xC10] =	vst v0  }
0x3e: {  	[tilespmem:s13+$0xC20] =	vst v0  }
0x3f: {  	[tilespmem:s13+$0xC30] =	vst v0  }
0x40: {  	[tilespmem:s13+$0xC40] =	vst v0  }
0x41: {  	[tilespmem:s13+$0xC50] =	vst v0  }
0x42: {  	[tilespmem:s13+$0xC60] =	vst v0  }
0x43: {  	[tilespmem:s13+$0xC70] =	vst v0  }
0x44: {  	[tilespmem:s13+$0x1000] =	vst v0  }
0x45: {  	[tilespmem:s13+$0x1010] =	vst v0  }
0x46: {  	[tilespmem:s13+$0x1020] =	vst v0  }
0x47: {  	[tilespmem:s13+$0x1030] =	vst v0  }
0x48: {  	[tilespmem:s13+$0x1040] =	vst v0  }
0x49: {  	[tilespmem:s13+$0x1050] =	vst v0  }
0x4a: {  	[tilespmem:s13+$0x1060] =	vst v0  }
0x4b: {  	[tilespmem:s13+$0x1070] =	vst v0  }
0x4c: {  	[tilespmem:s13+$0x1400] =	vst v0  }
0x4d: {  	[tilespmem:s13+$0x1410] =	vst v0  }
0x4e: {  	[tilespmem:s13+$0x1420] =	vst v0  }
0x4f: {  	[tilespmem:s13+$0x1430] =	vst v0  }
0x50: {  	[tilespmem:s13+$0x1440] =	vst v0  }
0x51: {  	[tilespmem:s13+$0x1450] =	vst v0  }
0x52: {  	[tilespmem:s13+$0x1460] =	vst v0  }
0x53: {  	[tilespmem:s13+$0x1470] =	vst v0  }
0x54: {  	[tilespmem:s13+$0x1800] =	vst v0  }
0x55: {  	[tilespmem:s13+$0x1810] =	vst v0  }
0x56: {  	[tilespmem:s13+$0x1820] =	vst v0  }
0x57: {  	[tilespmem:s13+$0x1830] =	vst v0  }
0x58: {  	s22 =	sand.u32 $0x7, s10;
	[tilespmem:s13+$0x1840] =	vst v0  }
0x59: {  	s14 =	sshll.u32 s22, $0x7;
	[tilespmem:s13+$0x1850] =	vst v0  }
0x5a: {  	s14 =	sadd.s32 s14, s11;
	[tilespmem:s13+$0x1860] =	vst v0  }
0x5b: {  	[tilespmem:s13+$0x1870] =	vst v0;
	s23 =	sor.u32 $0x1C00, s14  }
0x5c: {  	s24 =	sor.u32 $0x1C10, s14;
	[tilespmem:s23+$0x0] =	vst v0  }
0x5d: {  	s25 =	sor.u32 $0x1C20, s14;
	[tilespmem:s24+$0x0] =	vst v0  }
0x5e: {  	p0 =	sne.s32 s12, $0x1B80;
	s26 =	sor.u32 $0x1C30, s14;
	[tilespmem:s25+$0x0] =	vst v0  }
.Ltmp0:
0x5f: {  	s28 =	sor.u32 $0x1C40, s14;
	[tilespmem:s26+$0x0] =	vst v0;
	(pc) =	sbr.rel @p0 .LBB2_2-.Ltmp0, $4  }
0x60: {  	s29 =	sor.u32 $0x1C50, s14;
	[tilespmem:s28+$0x0] =	vst v0  }
0x61: {  	s30 =	sor.u32 $0x1C60, s14;
	[tilespmem:s29+$0x0] =	vst v0  }
0x62: {  	s10 =	sadd.s32 $0x1, s10;
	s31 =	sor.u32 $0x1C70, s14;
	[tilespmem:s30+$0x0] =	vst v0  }
0x63: {  	s9 =	sadd.s32 $0x400, s9;
	s12 =	sadd.s32 $0x80, s12;
	s11 =	sadd.s32 $0x400, s11;
	[tilespmem:s31+$0x0] =	vst v0  }
0x64: {  	s9 =	simm.s32 $0x0;
	s10 =	simm.s32 $0xE020  }
.LBB2_4:
0x65: {  	v6 =	vld [tilespmem:s10+$0xFFFFFFE0];
	_ =	sdelay $0x4  }
0x66: {  	v7 =	vadd.s32 $0xFFFFFFFF, v6  }
0x67: {  	vm1 =	vgt.s32 v7, $0x0  }
0x68: {  	v7 =	vnsel vm1, $0x0, v7  }
0x69: {  	v8 =	vshll.u32 v7, $0x3  }
0x6a: {  	v7 =	vand.u32 $0x7F, v7;
	v8 =	vand.u32 $0xFFFFFC00, v8  }
0x6b: {  	vm1 =	vgt.s32 v6, $0x0;
	v6 =	vor.u32 v7, v8  }
0x6c: {  	v6 =	vadd.s32 v1, v6;
	_ =	sdelay $0x4  }
0x6d: {  	[tilespmem:v6+s2+$0x0] =	vst.idx.msk vm1, v2  }
0x6e: {  	v6 =	vld [tilespmem:s10+$0xFFFFFFF0];
	_ =	sdelay $0x4  }
0x6f: {  	v7 =	vadd.s32 $0xFFFFFFFF, v6  }
0x70: {  	vm1 =	vgt.s32 v7, $0x0  }
0x71: {  	v7 =	vnsel vm1, $0x0, v7  }
0x72: {  	v57 =	vshll.u32 v7, $0x3  }
0x73: {  	v7 =	vand.u32 $0x7F, v7;
	v8 =	vand.u32 $0xFFFFFC00, v57  }
0x74: {  	vm1 =	vgt.s32 v6, $0x0;
	v6 =	vor.u32 v7, v8  }
0x75: {  	v6 =	vadd.s32 v3, v6;
	_ =	sdelay $0x4  }
0x76: {  	[tilespmem:v6+s2+$0x0] =	vst.idx.msk vm1, v2  }
0x77: {  	v6 =	vld [tilespmem:s10+$0x0];
	_ =	sdelay $0x4  }
0x78: {  	v7 =	vadd.s32 $0xFFFFFFFF, v6  }
0x79: {  	vm1 =	vgt.s32 v7, $0x0  }
0x7a: {  	v7 =	vnsel vm1, $0x0, v7  }
0x7b: {  	v58 =	vshll.u32 v7, $0x3  }
0x7c: {  	v7 =	vand.u32 $0x7F, v7;
	v8 =	vand.u32 $0xFFFFFC00, v58  }
0x7d: {  	vm1 =	vgt.s32 v6, $0x0;
	v6 =	vor.u32 v7, v8  }
0x7e: {  	v6 =	vadd.s32 v4, v6;
	_ =	sdelay $0x4  }
0x7f: {  	[tilespmem:v6+s2+$0x0] =	vst.idx.msk vm1, v2  }
0x80: {  	v6 =	vld [tilespmem:s10+$0x10];
	_ =	sdelay $0x4  }
0x81: {  	v7 =	vadd.s32 $0xFFFFFFFF, v6  }
0x82: {  	vm1 =	vgt.s32 v7, $0x0  }
0x83: {  	v7 =	vnsel vm1, $0x0, v7  }
0x84: {  	v59 =	vshll.u32 v7, $0x3  }
0x85: {  	vm1 =	vgt.s32 v6, $0x0;
	v6 =	vand.u32 $0x7F, v7;
	v7 =	vand.u32 $0xFFFFFC00, v59  }
0x86: {  	vm1 =	vmand vm1, vm0;
	v6 =	vor.u32 v6, v7  }
0x87: {  	v6 =	vadd.s32 v5, v6;
	_ =	sdelay $0x4  }
0x88: {  	s11 =	sadd.s32 s9, s5;
	[tilespmem:v6+s2+$0x0] =	vst.idx.msk vm1, v2  }
0x89: {  	[hbm4b:s11+s2] =	stream.linear.scatter [tilespmem:s2], [sflag:$0x1], $0xE000, $0x38;
	[tilespmem:$0xE800] =	vst v63  }
0x8a: {  	_ =	swait.ge [sflag:s7], $0xE000  }
0x8b: {  	[sflag:s7] =	ssyncset.done $0x0  }
0x8c: {  	[sflag:s7] =	ssyncadd.s32 $0xFFFF2000  }
0x8d: {  	v6 =	vld [tilespmem:s10+$0xFFFFFFE0];
	_ =	sdelay $0x4  }
0x8e: {  	v7 =	vadd.s32 $0xFFFFFFFF, v6  }
0x8f: {  	vm1 =	vgt.s32 v7, $0x0  }
0x90: {  	v7 =	vnsel vm1, $0x0, v7  }
0x91: {  	v60 =	vshll.u32 v7, $0x3  }
0x92: {  	v7 =	vand.u32 $0x7F, v7;
	v8 =	vand.u32 $0xFFFFFC00, v60  }
0x93: {  	vm1 =	vgt.s32 v6, $0x0;
	v6 =	vor.u32 v7, v8  }
0x94: {  	v6 =	vadd.s32 v1, v6;
	_ =	sdelay $0x4  }
0x95: {  	[tilespmem:v6+s2+$0x0] =	vst.idx.msk vm1, v0  }
0x96: {  	v6 =	vld [tilespmem:s10+$0xFFFFFFF0];
	_ =	sdelay $0x4  }
0x97: {  	v7 =	vadd.s32 $0xFFFFFFFF, v6  }
0x98: {  	vm1 =	vgt.s32 v7, $0x0  }
0x99: {  	v7 =	vnsel vm1, $0x0, v7  }
0x9a: {  	v61 =	vshll.u32 v7, $0x3  }
0x9b: {  	v7 =	vand.u32 $0x7F, v7;
	v8 =	vand.u32 $0xFFFFFC00, v61  }
0x9c: {  	vm1 =	vgt.s32 v6, $0x0;
	v6 =	vor.u32 v7, v8  }
0x9d: {  	v6 =	vadd.s32 v3, v6;
	_ =	sdelay $0x4  }
0x9e: {  	[tilespmem:v6+s2+$0x0] =	vst.idx.msk vm1, v0  }
0x9f: {  	v6 =	vld [tilespmem:s10+$0x0];
	_ =	sdelay $0x4  }
0xa0: {  	v7 =	vadd.s32 $0xFFFFFFFF, v6  }
0xa1: {  	vm1 =	vgt.s32 v7, $0x0  }
0xa2: {  	v7 =	vnsel vm1, $0x0, v7  }
0xa3: {  	v62 =	vshll.u32 v7, $0x3  }
0xa4: {  	v7 =	vand.u32 $0x7F, v7;
	v8 =	vand.u32 $0xFFFFFC00, v62  }
0xa5: {  	vm1 =	vgt.s32 v6, $0x0;
	v6 =	vor.u32 v7, v8  }
0xa6: {  	v6 =	vadd.s32 v4, v6;
	_ =	sdelay $0x4  }
0xa7: {  	[tilespmem:v6+s2+$0x0] =	vst.idx.msk vm1, v0  }
0xa8: {  	v6 =	vld [tilespmem:s10+$0x10];
	_ =	sdelay $0x4  }
0xa9: {  	v7 =	vadd.s32 $0xFFFFFFFF, v6  }
0xaa: {  	vm1 =	vgt.s32 v7, $0x0  }
0xab: {  	v7 =	vnsel vm1, $0x0, v7  }
0xac: {  	v63 =	vshll.u32 v7, $0x3  }
0xad: {  	vm1 =	vgt.s32 v6, $0x0;
	v6 =	vand.u32 $0x7F, v7;
	v7 =	vand.u32 $0xFFFFFC00, v63  }
0xae: {  	vm1 =	vmand vm1, vm0;
	v6 =	vor.u32 v6, v7  }
0xaf: {  	p0 =	sne.s32 s9, $0x36400;
	v6 =	vadd.s32 v5, v6  }
.Ltmp1:
0xb0: {  	_ = 	snop;
	(pc) =	sbr.rel @p0 .LBB2_4-.Ltmp1, $2  }
0xb1: {  	_ =	sdelay $0x2  }
0xb2: {  	s9 =	sadd.s32 $0x1C00, s9;
	s10 =	sadd.s32 $0x40, s10;
	[tilespmem:v6+s2+$0x0] =	vst.idx.msk vm1, v0  }
0xb3: {  	s8 =	sadd.s32 $0x1, s8  }
0xb4: {  	p0 =	sne.s32 s8, s4  }
.Ltmp2:
0xb5: {  	_ = 	snop;
	(pc) =	sbr.rel @p0 .LBB2_1-.Ltmp2, $1  }
0xb6: {  	_ =	sdelay $0x3  }
0xb7: {  	_ =	sfence.sel $0x180000  }
0xb8: {  	[bflag:$0x0] =	sbarrier.arrive $0xFFFF  }
0xb9: {  	p0 =	sne.s32 s1, $0x0;
	_ =	strace $0x90000047  }
0xba: {  	s0 =	sadd.s32 @!p0 $0x100000, s0;
	[bflag:$0x2] =	sbarrier.arrive $0xFFFF  }
0xbb: {  	[sflag:s0] =	ssyncadd.tile.s32 @!p0 $0x1;
	_ =	shalt  }
.Lfunc_end2:
_tile_overlayer_lowered:
.L_overlay_start_2:
0xbc: {  	(tag) =	ssettag $0x2  }
0xbd: {  	s0 =	rddreg [dreg:$0x0];
	s2 =	stileid.u32  }
0xbe: {  	s1 =	rddreg [dreg:$0x1];
	p0 =	sne.s32 s2, $0x0  }
0xbf: {  	s3 =	rddreg [dreg:$0x2];
	[bflag:$0x3] =	sbarrier.arrive $0xFFFF;
	s2 =	simm.s32 @!p0 $0x1C01  }
0xc0: {  	[timem:s3], [sflag:s2] =	dma.local @!p0 [hbm:s0], s1  }
0xc1: {  	s0 =	simm.s32 @!p0 $0x1  }
0xc2: {  	_ =	swait.ge @!p0 [sflag:s0], s1  }
0xc3: {  	s1 =	ssub.s32 @!p0 $0x0, s1;
	[sflag:s0] =	ssyncset.done @!p0 $0x0  }
0xc4: {  	[sflag:s0] =	ssyncadd.s32 @!p0 s1  }
0xc5: {  	[bflag:$0x3] =	sbarrier.arrive $0xFFFF  }
0xc6: {  	_ =	shalt  }

// kernel: sparse-core-data-format-call.cloned.1.call-start
scs
called_computation_lowered:
.L_overlay_start_0:
0x0: {  	s2 =	sld [smem:$0x3FD9]  }
0x1: {  	s3 =	sld [smem:$0x3FFE];
	_ =	sdelay $0x1  }
0x2: {  	s1 =	srdreg.scid  }
0x3: {  	s0 =	sand.u32 $0x1, s1  }
0x4: {  	s18 =	sshll.u32 s0, $0xA;
	s2 =	sadd.s32 s3, s2  }
0x5: {  	s2 =	sadd.s32 s2, s18  }
0x6: {  	[smem:$0x3FC7] =	sst s2  }
0x7: {  	_ = 	snop  }
0x8: {  	s2 =	sld [smem:$0x3FD0];
	(tm) =	ssettm $0x1  }
0x9: {  	s19 =	sld [smem:$0x3FFB];
	_ =	sdelay $0x3  }
0xa: {  	_ =	strace s19  }
0xb: {  	s3 =	sld [smem:$0x3FFC];
	_ =	sdelay $0x3  }
0xc: {  	_ =	strace s3  }
0xd: {  	s3 =	sld [smem:$0x3FFD];
	_ =	sdelay $0x3  }
0xe: {  	_ =	strace s3  }
0xf: {  	_ =	strace $0x8FFFFFFF  }
0x10: {  	s20 =	sld [smem:$0x3FDB];
	_ =	sdelay $0x1  }
0x11: {  	s4 =	simm.s32 $_scs_section_size  }
0x12: {  	s5 =	simm.s32 $_size__tile_overlayer_lowered;
	s6 =	simm.s32 $_tile_overlayer_lowered  }
0x13: {  	s23 =	simm.s32 $0x1BFF;
	s22 =	sshll.u32 s6, $0x1;
	s3 =	sadd.s32 s4, s20  }
0x14: {  	s7 =	simm.s32 $0x0;
	s21 =	sshll.u32 s5, $0x1;
	s5 =	sadd.s32 s22, s3  }
0x15: {  	[timem:s7], [sflag:s23] =	dma.local [hbm:s5], s21  }
0x16: {  	_ =	swait.ge [sflag:s23], s21  }
0x17: {  	s4 =	ssub.s32 $0x0, s21;
	[sflag:s23] =	ssyncset.done $0x0  }
0x18: {  	[sflag:s23] =	ssyncadd.s32 s4;
	_ =	sdelay $0x1  }
0x19: {  	s24 =	simm.s32 $0x1B8B  }
0x1a: {  	_ =	swait.ge [sflag:s24], $0x1  }
0x1b: {  	[sflag:s24] =	ssyncset.done $0x0  }
0x1c: {  	s26 =	simm.s32 $0x1B8E;
	s25 =	sld [smem:$0x3FFE];
	[sflag:s24] =	ssyncadd.s32 $0xFFFFFFFF  }
0x1d: {  	s27 =	simm.s32 $execute0_lowered;
	[smem:$0x3FD2] =	sst s26  }
0x1e: {  	s5 =	sshll.u32 s27, $0x1;
	_ =	strace $0x80000049;
	[dreg:$0x1] =	wrdreg $0xFFFFFFFF  }
0x1f: {  	s28 =	simm.s32 $_size_execute0_lowered;
	s3 =	sadd.s32 s3, s5;
	[dreg:$0x0] =	wrdreg $0x0  }
0x20: {  	s5 =	sshll.u32 s28, $0x1;
	[dreg:$0x2] =	wrdreg s3  }
0x21: {  	[dreg:$0x3] =	wrdreg s5  }
0x22: {  	[dreg:$0x4] =	wrdreg $0xC0  }
0x23: {  	_ =	task [dreg:s7], $0x5FFFF  }
0x24: {  	[dreg:$0x1] =	wrdreg $0xFFFFFFFF  }
0x25: {  	[dreg:$0x0] =	wrdreg $0x60  }
0x26: {  	[dreg:$0x2] =	wrdreg s25  }
0x27: {  	[dreg:$0x3] =	wrdreg s2  }
0x28: {  	[dreg:$0x4] =	wrdreg $0x9  }
0x29: {  	_ =	task.clear_ibuf [dreg:s7], $0x5FFFF;
	_ =	strace $0x90000049  }
0x2a: {  	s29 =	simm.s32 $0x9;
	_ =	strace $0x8000004B  }
0x2b: {  	_ =	swait.ge [sflag:s29], $0x1  }
0x2c: {  	[sflag:s29] =	ssyncadd.s32 $0xFFFFFFFF  }
0x2d: {  	_ =	strace $0x9000004B  }
0x2e: {  	_ =	sfence  }
0x2f: {  	s30 =	sld [smem:$0x0];
	_ =	sdelay $0x2  }
0x30: {  	s31 =	sshll.u32 s1, $0xD;
	s1 =	sshrl.u32 s1, $0x2  }
0x31: {  	s3 =	sand.u32 $0x4000, s31;
	s1 =	sadd.s32 s1, s30  }
0x32: {  	s0 =	sor.u32 s3, s0;
	s1 =	sshll.u32 s1, $0x11  }
0x33: {  	s0 =	sor.u32 s1, s0  }
0x34: {  	s0 =	sadd.s32 $0x8F2B, s0  }
0x35: {  	[sflag:s0] =	ssyncadd.remote.s32 $0x1  }
0x36: {  	_ =	sfence.sel $0xFFFF  }
0x37: {  	[dreg:$0x0] =	wrdreg $0xFFFFFFFF;
	(pc) =	sbr.abs _section_cstart, $3  }
0x38: {  	[dreg:$0x1] =	wrdreg $0xFFFFFFFF  }
0x39: {  	_ =	task.clear_ibuf [dreg:s7], $0x2FFFF;
	_ =	strace $0x9FFFFFFF  }
0x3a: {  	(tm) =	ssettm $0x7FFFFFFF  }
0x3b: {  	_ =	shalt  }
tec
execute0_lowered:
.L_overlay_start_1:
0x0: {  	(tag) =	ssettag $0x1  }
0x1: {  	s4 =	rddreg [dreg:$0x0]  }
0x2: {  	s0 =	stileid.u32;
	s2 =	rddreg [dreg:$0x1]  }
0x3: {  	s7 =	srdreg.scid;
	s31 =	simm.s32 $0x2;
	s17 =	simm.s32 $0x0  }
0x4: {  	s9 =	simm.s32 $0x2000;
	s19 =	simm.s32 $0x0;
	s18 =	simm.s32 $0x0  }
0x5: {  	s10 =	simm.s32 $0x0;
	s11 =	simm.s32 $0x0;
	s1 =	sshll.u32 s0, $0x7  }
0x6: {  	s12 =	simm.s32 $0x0;
	s14 =	simm.s32 $0x0;
	s3 =	sand.u32 $0x380, s1  }
0x7: {  	s16 =	simm.s32 $0x0;
	s4 =	sadd.s32 $0x400, s4;
	s5 =	ssub.s32 $0x400, s3  }
0x8: {  	s8 =	sshll.u32 s0, $0x4;
	s7 =	sshll.u32 s7, $0x8;
	s6 =	sand.u32 $0x380, s5  }
0x9: {  	s1 =	rddreg [dreg:$0x2];
	p0 =	sne.s32 s6, $0x0;
	s6 =	simm.s32 $0x1  }
.Ltmp0:
0xa: {  	s5 =	sshrl.u32 s5, $0xA;
	s6 =	simm.s32 @!p0 $0x0;
	(pc) =	sbr.rel .LBB1_1-.Ltmp0, $4  }
0xb: {  	_ =	strace $0x8000004A;
	s7 =	sor.u32 s8, s7;
	s6 =	sadd.s32 s6, s5  }
0xc: {  	s7 =	sand.u32 $0x180, s7;
	s5 =	simm.s32 $0x1;
	s6 =	smul.u32 $0x64, s6  }
0xd: {  	s15 =	smov.u32 s3;
	s13 =	smov.u32 s7;
	[sflag:s5] =	ssyncpa.u1 $0x0  }
0xe: {  	p0 =	por $0x0, $0x0;
	[sflag:s31] =	ssyncpa.u1 $0x0;
	s8 =	sor.u32 $0x1, s6  }
.LBB1_4:
0xf: {  	s25 =	sshll.u32 s10, $0xA;
	s24 =	sshra.s32 s24, $0x2;
	s26 =	sshll.u32 s12, $0x3  }
0x10: {  	p1 =	sgt.s32 s11, $0x31;
	s27 =	smov.u32 s11;
	s28 =	sshra.s32 s11, $0x1F  }
0x11: {  	p2 =	sgt.s32 s12, $0x380;
	s31 =	sshra.s32 s12, $0x1F;
	s25 =	sand.u32 $0xFFFFE000, s25  }
0x12: {  	s26 =	sand.u32 $0xFFFFFC00, s26;
	s27 =	simm.s32 @!p1 $0x31;
	s28 =	sand.u32 s28, s11  }
0x13: {  	[tilespmem:s22+$0x2040 ss:$0x81] =	vst.msk $0xffff, v4;
	s23 =	sadd.s32 s24, s23;
	s29 =	sadd.s32 s26, s25;
	s25 =	ssub.s32 s27, s28  }
0x14: {  	[tilespmem:s22+$0x2850 ss:$0x81] =	vst.msk $0xffff, v3;
	s27 =	smov.u32 s12;
	s28 =	smov.u32 s10;
	s26 =	sand.u32 s31, s12  }
0x15: {  	[tilespmem:s22+$0x3060 ss:$0x81] =	vst.msk $0xffff, v2;
	s24 =	sshrl.u32 s29, $0xA;
	s30 =	sadd.s32 $0xFFFFFFCF, s25;
	s27 =	simm.s32 @!p2 $0x380  }
0x16: {  	v5 =	vld [tilespmem:s21+$0xFFFFFFD0];
	[tilespmem:s22+$0x0 ss:$0x81] =	vst.msk $0xffff, v1;
	p2 =	sgt.s32 s10, $0x368;
	s29 =	sshra.s32 s10, $0x1F;
	s22 =	ssub.s32 $0x32, s25  }
0x17: {  	v58 =	vld [tilespmem:s21+$0xFFFFFFE0];
	p1 =	sgt.s32 s30, $0x0;
	s28 =	simm.s32 @!p2 $0x368;
	s29 =	sand.u32 s29, s10  }
0x18: {  	v59 =	vld [tilespmem:s21+$0xFFFFFFF0];
	s26 =	ssub.s32 s27, s26;
	s27 =	smulhi.u32 $0x418938, s24;
	s28 =	ssub.s32 s28, s29  }
0x19: {  	v60 =	vld [tilespmem:s21+$0x0];
	s30 =	sadd.s32 $0xFFFFFC80, s26;
	s25 =	ssub.s32 $0x400, s26;
	s22 =	simm.s32 @p1 $0x0  }
0x1a: {  	v61 =	vld [tilespmem:s21+$0x10];
	[tilespmem:s23+$0x3870 ss:$0x81] =	vst.msk $0xffff, v0;
	s29 =	sand.u32 $0x78, s12;
	p2 =	sgt.s32 s30, $0x7F;
	s31 =	sadd.s32 $0xFFFFFC98, s28  }
0x1b: {  	v62 =	vld [tilespmem:s21+$0x20];
	[tilespmem:s23+$0x810 ss:$0x81] =	vst.msk $0xffff, v5;
	s27 =	smul.u32 $0x3E8, s27;
	s30 =	sshll.u32 s10, $0x7;
	s28 =	ssub.s32 $0x3E8, s28  }
0x1c: {  	v63 =	vld [tilespmem:s21+$0xFFFFFFC0];
	[tilespmem:s23+$0x1020 ss:$0x81] =	vst.msk $0xffff, v58;
	s25 =	simm.s32 @p2 $0x0;
	p1 =	sgt.s32 s31, $0x7F;
	s31 =	smul.u32 $0x1F400, s11  }
0x1d: {  	[tilespmem:s23+$0x1830 ss:$0x81] =	vst.msk $0xffff, v59;
	s21 =	sand.u32 $0x380, s30;
	s22 =	smul.u32 s25, s22;
	s28 =	simm.s32 @p1 $0x0  }
0x1e: {  	[tilespmem:s23+$0x2040 ss:$0x81] =	vst.msk $0xffff, v60;
	s21 =	sor.u32 s29, s21;
	s24 =	ssub.s32 s24, s27;
	s29 =	sand.u32 $0x7, s12  }
0x1f: {  	[tilespmem:s23+$0x2850 ss:$0x81] =	vst.msk $0xffff, v61;
	s21 =	sshrl.u32 s21, $0x3;
	s25 =	sadd.s32 s2, s31;
	s22 =	smul.u32 s28, s22  }
0x20: {  	[tilespmem:s23+$0x3060 ss:$0x81] =	vst.msk $0xffff, v62;
	s24 =	sshll.u32 s24, $0x7;
	s30 =	sshll.u32 s29, $0x12;
	s21 =	sadd.s32 s21, s25  }
0x21: {  	[tilespmem:s23+$0x0 ss:$0x81] =	vst.msk $0xffff, v63;
	s31 =	sor.u32 $0x400, s30;
	s21 =	sadd.s32 s24, s21;
	s22 =	sand.u32 $0x3FFFFFFF, s22  }
0x22: {  	[hbm4b:s21+s31] =	stream.strided.scatter [tilespmem:s20], [sflag:$0x2], s22, s9, s31, $0x20;
	[tilespmem:$0x10100] =	vst v63  }
.LBB1_5:
0x23: {  	p1 =	slt.u32 s16, $0x2  }
0x24: {  	p2 =	sgt.s32 @!p1 s19, $0x31  }
0x25: {  	s20 =	smov.u32 s19;
	s21 =	sshra.s32 @!p1 s19, $0x1F;
	p2 =	por !p2, p1  }
0x26: {  	s19 =	sand.u32 @!p1 s21, s19;
	s20 =	simm.s32 @p2 $0x31  }
0x27: {  	p3 =	sgt.s32 @!p1 s17, $0x368;
	s19 =	ssub.s32 @!p1 s20, s19  }
0x28: {  	p4 =	sgt.s32 @!p1 s18, $0x380;
	s22 =	sshra.s32 @!p1 s18, $0x1F;
	s20 =	sadd.s32 @!p1 $0xFFFFFFCF, s19  }
0x29: {  	s21 =	smov.u32 s17;
	p2 =	sgt.s32 @!p1 s20, $0x0;
	s20 =	sshra.s32 @!p1 s17, $0x1F  }
0x2a: {  	p4 =	por !p4, p1;
	s17 =	sand.u32 @!p1 s20, s17;
	s20 =	smov.u32 s18  }
0x2b: {  	p3 =	por !p3, p1;
	s18 =	sand.u32 @!p1 s22, s18;
	s20 =	simm.s32 @p4 $0x380  }
0x2c: {  	s21 =	simm.s32 @p3 $0x368;
	s19 =	ssub.s32 @!p1 $0x32, s19;
	s18 =	ssub.s32 @!p1 s20, s18  }
0x2d: {  	p2 =	por !p2, p1;
	s17 =	ssub.s32 @!p1 s21, s17;
	s21 =	sadd.s32 @!p1 $0xFFFFFC80, s18  }
0x2e: {  	s19 =	simm.s32 @!p2 $0x0;
	p3 =	sgt.s32 @!p1 s21, $0x7F  }
0x2f: {  	s20 =	sadd.s32 @!p1 $0xFFFFFC98, s17;
	s18 =	ssub.s32 @!p1 $0x400, s18;
	p3 =	por !p3, p1  }
0x30: {  	p2 =	sgt.s32 @!p1 s20, $0x7F;
	s20 =	sadd.s32 $0x200, s13;
	s18 =	simm.s32 @!p3 $0x0  }
0x31: {  	p3 =	sgt.s32 s20, $0x3E6;
	s18 =	smul.u32 @!p1 s18, s19;
	s19 =	simm.s32 $0x1  }
0x32: {  	s17 =	ssub.s32 @!p1 $0x3E8, s17;
	p2 =	por !p2, p1;
	s19 =	simm.s32 @!p3 $0x0  }
0x33: {  	s22 =	smov.u32 s15;
	s17 =	simm.s32 @!p2 $0x0;
	s21 =	sadd.s32 s19, s14  }
0x34: {  	s17 =	smul.u32 @!p1 s17, s18;
	s18 =	sadd.s32 $0x400, s15;
	p2 =	sgt.s32 s21, $0x31  }
0x35: {  	p0 =	por !p0, !p0;
	s23 =	simm.s32 @!p1 $0x2;
	s22 =	smov.u32 @p2 s18  }
0x36: {  	s20 =	smov.u32 @p3 s7;
	s21 =	simm.s32 @p2 $0x0;
	p2 =	sgt.s32 s22, $0x3FF  }
0x37: {  	s19 =	smov.u32 s11;
	s22 =	smov.u32 @p2 s3;
	p2 =	sne.s32 s16, s8  }
.Ltmp1:
0x38: {  	s11 =	smov.u32 s14;
	s17 =	sand.u32 @!p1 $0x3FFFFFFF, s17;
	(pc) =	sbr.rel @!p2 .LBB1_6-.Ltmp1, $4  }
0x39: {  	s18 =	smov.u32 s12;
	s12 =	smov.u32 s15;
	_ =	swait.ge @!p1 [sflag:s23], s17  }
0x3a: {  	s24 =	ssub.s32 @!p1 $0x0, s17;
	s17 =	smov.u32 s10;
	s10 =	smov.u32 s13  }
0x3b: {  	s13 =	smov.u32 s20;
	s14 =	smov.u32 s21;
	[sflag:s23] =	ssyncset.done @!p1 $0x0  }
0x3c: {  	s16 =	sadd.s32 $0x1, s16;
	[sflag:s23] =	ssyncadd.s32 @!p1 s24;
	s15 =	smov.u32 s22  }
.LBB1_1:
0x3d: {  	p1 =	sge.u32 s16, s6  }
0x3e: {  	s20 =	sshll.u32 @!p1 s14, $0xA  }
0x3f: {  	s21 =	sshll.u32 @!p1 s13, $0x3;
	s20 =	sand.u32 @!p1 $0xFFFFE000, s20  }
0x40: {  	s20 =	sadd.s32 @!p1 s20, s21  }
0x41: {  	s20 =	sshrl.u32 @!p1 s20, $0xA  }
0x42: {  	s21 =	smulhi.u32 @!p1 $0x4924925, s20  }
0x43: {  	s22 =	sshll.u32 @!p1 s14, $0x7;
	s24 =	smul.u32 @!p1 $0x1C00, s15  }
0x44: {  	s23 =	sand.u32 @!p1 $0x78, s13;
	s22 =	sand.u32 @!p1 $0x380, s22;
	s21 =	smul.u32 @!p1 $0x38, s21  }
0x45: {  	s31 =	sadd.s32 $0xFFFFFFFF, s16;
	s22 =	sor.u32 @!p1 s23, s22;
	s23 =	sadd.s32 @!p1 s4, s24  }
0x46: {  	s22 =	sshrl.u32 @!p1 s22, $0x3;
	s20 =	ssub.s32 @!p1 s20, s21;
	s21 =	sxor.u32 @!p1 $0xFFFFFFFF, s16  }
0x47: {  	s22 =	sadd.s32 @!p1 s22, s23;
	s23 =	sand.u32 @!p1 $0x7, s13;
	s21 =	sshll.u32 @!p1 s21, $0xE  }
0x48: {  	s23 =	sshll.u32 @!p1 s23, $0x12;
	s20 =	sshll.u32 @!p1 s20, $0x7;
	s21 =	sand.u32 @!p1 $0x4000, s21  }
0x49: {  	s20 =	sadd.s32 @!p1 s20, s22;
	s22 =	sor.u32 @!p1 $0x80, s23;
	s23 =	simm.s32 @!p1 $0xE000  }
0x4a: {  	[tilespmem:s21], [sflag:$0x1] =	stream.strided.gather @!p1 [hbm4b:s20+s22], $0x4000, s23, s22, $0x38;
	[tilespmem:$0x10100] =	vst v63  }
0x4b: {  	p1 =	sge.u32 s31, s6  }
.Ltmp2:
0x4c: {  	_ = 	snop;
	(pc) =	sbr.rel @p1 .LBB1_5-.Ltmp2, $1  }
0x4d: {  	_ =	sdelay $0x3  }
0x4e: {  	s20 =	simm.s32 $0x1  }
0x4f: {  	_ =	swait.ge [sflag:s5], $0x4000;
	s20 =	simm.s32 @!p0 $0x0  }
0x50: {  	[sflag:s5] =	ssyncset.done $0x0;
	s21 =	sshll.u32 s20, $0xE  }
0x51: {  	[sflag:s5] =	ssyncadd.s32 $0xFFFFC000;
	s21 =	sor.u32 $0x40, s21  }
0x52: {  	s20 =	smul.u32 $0x10200, s20;
	v0 =	vld [tilespmem:s21+$0x30]  }
0x53: {  	v1 =	vld [tilespmem:s21+$0xFFFFFFD0]  }
0x54: {  	s20 =	sshrl.u32 s20, $0x2;
	v5 =	vld [tilespmem:s21+$0xFFFFFFE0]  }
0x55: {  	v6 =	vld [tilespmem:s21+$0xFFFFFFF0];
	s23 =	sor.u32 $0x8000, s20  }
0x56: {  	s31 =	sand.u32 $0x1, s16;
	v4 =	vld [tilespmem:s21+$0x0];
	s22 =	sadd.s32 $0x0, s23  }
0x57: {  	v3 =	vld [tilespmem:s21+$0x10];
	s20 =	smul.u32 $0x10200, s31;
	[tilespmem:s22+$0x3870 ss:$0x81] =	vst.msk $0xffff, v0  }
0x58: {  	v2 =	vld [tilespmem:s21+$0x20];
	[tilespmem:s22+$0x810 ss:$0x81] =	vst.msk $0xffff, v1  }
0x59: {  	s20 =	sshrl.u32 s20, $0x2;
	v1 =	vld [tilespmem:s21+$0xFFFFFFC0];
	[tilespmem:s22+$0x1020 ss:$0x81] =	vst.msk $0xffff, v5;
	s21 =	sadd.s32 $0x80, s21  }
0x5a: {  	s24 =	simm.s32 $0x4;
	s25 =	simm.s32 $0x8;
	s20 =	sor.u32 $0x8000, s20;
	[tilespmem:s22+$0x1830 ss:$0x81] =	vst.msk $0xffff, v6;
	v0 =	vld [tilespmem:s21+$0x30]  }
.LBB1_3:
0x5b: {  	p1 =	sne.s32 s25, $0x1FC;
	v5 =	vld [tilespmem:s21+$0xFFFFFFD0];
	[tilespmem:s22+$0x2040 ss:$0x81] =	vst.msk $0xffff, v4  }
0x5c: {  	v6 =	vld [tilespmem:s21+$0xFFFFFFE0];
	[tilespmem:s22+$0x2850 ss:$0x81] =	vst.msk $0xffff, v3  }
0x5d: {  	s26 =	sshra.s32 s24, $0x2;
	s24 =	smov.u32 s25;
	v7 =	vld [tilespmem:s21+$0xFFFFFFF0];
	[tilespmem:s22+$0x3060 ss:$0x81] =	vst.msk $0xffff, v2  }
.Ltmp3:
0x5e: {  	v4 =	vld [tilespmem:s21+$0x0];
	[tilespmem:s22+$0x0 ss:$0x81] =	vst.msk $0xffff, v1;
	s22 =	sadd.s32 s26, s23;
	(pc) =	sbr.rel @p1 .LBB1_3-.Ltmp3, $4  }
0x5f: {  	v3 =	vld [tilespmem:s21+$0x10];
	[tilespmem:s22+$0x3870 ss:$0x81] =	vst.msk $0xffff, v0  }
0x60: {  	[tilespmem:s22+$0x810 ss:$0x81] =	vst.msk $0xffff, v5;
	v2 =	vld [tilespmem:s21+$0x20]  }
0x61: {  	v1 =	vld [tilespmem:s21+$0xFFFFFFC0];
	[tilespmem:s22+$0x1020 ss:$0x81] =	vst.msk $0xffff, v6;
	s21 =	sadd.s32 $0x80, s21  }
0x62: {  	s25 =	sadd.s32 $0x4, s25;
	v0 =	vld [tilespmem:s21+$0x30];
	[tilespmem:s22+$0x1830 ss:$0x81] =	vst.msk $0xffff, v7  }
.Ltmp4:
0x63: {  	_ = 	snop;
	(pc) =	sbr.rel .LBB1_4-.Ltmp4, $1  }
0x64: {  	_ =	sdelay $0x3  }
.LBB1_6:
0x65: {  	_ =	sfence.sel $0x180000  }
0x66: {  	s2 =	simm.s32 $0x1;
	[bflag:$0x0] =	sbarrier.arrive $0xFFFF  }
0x67: {  	s31 =	simm.s32 $0x2;
	[sflag:s2] =	ssyncpa.u1 $0x1  }
0x68: {  	[sflag:s31] =	ssyncpa.u1 $0x1  }
0x69: {  	p0 =	sne.s32 s0, $0x0;
	_ =	strace $0x9000004A  }
0x6a: {  	s0 =	sadd.s32 @!p0 $0x100000, s1;
	[bflag:$0x2] =	sbarrier.arrive $0xFFFF  }
0x6b: {  	[sflag:s0] =	ssyncadd.tile.s32 @!p0 $0x1;
	_ =	shalt  }
.Lfunc_end1:
_tile_overlayer_lowered:
.L_overlay_start_2:
0x6c: {  	(tag) =	ssettag $0x2  }
0x6d: {  	s0 =	rddreg [dreg:$0x0];
	s2 =	stileid.u32  }
0x6e: {  	s1 =	rddreg [dreg:$0x1];
	p0 =	sne.s32 s2, $0x0  }
0x6f: {  	s3 =	rddreg [dreg:$0x2];
	[bflag:$0x3] =	sbarrier.arrive $0xFFFF;
	s2 =	simm.s32 @!p0 $0x1C01  }
0x70: {  	[timem:s3], [sflag:s2] =	dma.local @!p0 [hbm:s0], s1  }
0x71: {  	s0 =	simm.s32 @!p0 $0x1  }
0x72: {  	_ =	swait.ge @!p0 [sflag:s0], s1  }
0x73: {  	s1 =	ssub.s32 @!p0 $0x0, s1;
	[sflag:s0] =	ssyncset.done @!p0 $0x0  }
0x74: {  	[sflag:s0] =	ssyncadd.s32 @!p0 s1  }
0x75: {  	[bflag:$0x3] =	sbarrier.arrive $0xFFFF  }
0x76: {  	_ =	shalt  }

</sc_bundles>
